<compile_context>
chip_gen: v7x
topology: tpu7x:2x2x1
jax: 0.10.2.dev20260603
libtpu: 0.0.44.dev20260713+nightly
codegen_flags: <defaults>
</compile_context>

<pallas_src>
import functools

import jax
import jax.numpy as jnp
from jax import lax
from jax.experimental import pallas as pl
from jax.experimental.pallas import tpu as pltpu
from jax.experimental.pallas import tpu_sc as plsc

_B, _C, _H, _W = 16, 3, 64, 64
_N = _H * _W
_L = 8
_P = 64
_R = _B * _C
_NCODE = _L * _L
_TW = 128

_NC, _NS = 2, 16
_NW = _NC * _NS
_IPW = _N // _NW


def _tc1_body(x_ref, lev_ref, out_ref):
    g = x_ref[...]
    rmod = lax.broadcasted_iota(jnp.int32, (_R, _N), 0) % _C

    def lev(j):
        return jnp.where(
            rmod == 0,
            lev_ref[0, j],
            jnp.where(rmod == 1, lev_ref[1, j], lev_ref[2, j]),
        )

    best = jnp.abs(g - lev(0))
    sym = jnp.zeros((_R, _N), jnp.int32)
    for j in range(1, _L):
        d = jnp.abs(g - lev(j))
        m = d < best
        sym = jnp.where(m, j, sym)
        best = jnp.where(m, d, best)

    symt = jnp.swapaxes(sym, 0, 1)
    out_ref[...] = jnp.concatenate(
        [symt, jnp.zeros((_N, _TW - _R), jnp.int32)], axis=1
    )


_tc1_call = pl.pallas_call(
    _tc1_body,
    in_specs=[
        pl.BlockSpec(memory_space=pltpu.VMEM),
        pl.BlockSpec(memory_space=pltpu.SMEM),
    ],
    out_shape=jax.ShapeDtypeStruct((_N, _TW), jnp.int32),
)


@functools.cache
def _sc_gather_call():
    mesh = plsc.VectorSubcoreMesh(core_axis_name="c", subcore_axis_name="s")

    @functools.partial(
        pl.kernel,
        mesh=mesh,
        compiler_params=pltpu.CompilerParams(
            use_tc_tiling_on_sc=True, needs_layout_passes=False
        ),
        out_type=jax.ShapeDtypeStruct((_N, _TW), jnp.int32),
        scratch_types=[
            pltpu.VMEM((_IPW,), jnp.int32),
            pltpu.VMEM((_IPW, _TW), jnp.int32),
            pltpu.SemaphoreType.DMA,
        ],
    )
    def _sc_gather(table_hbm, idx_hbm, out_hbm, idx_v, rows_v, sem):
        wid = lax.axis_index("s") * _NC + lax.axis_index("c")
        base = wid * _IPW
        pltpu.sync_copy(idx_hbm.at[pl.ds(base, _IPW)], idx_v)
        pltpu.async_copy(table_hbm.at[idx_v], rows_v, sem).wait()
        pltpu.sync_copy(rows_v, out_hbm.at[pl.ds(base, _IPW)])

    return _sc_gather


def _or_lanes(v):
    n = v.shape[1]
    while n > 1:
        h = n // 2
        v = v[:, :h] | v[:, h:]
        n = h
    return v


def _or_sublanes(v):
    n = v.shape[0]
    while n > 1:
        h = n // 2
        v = v[:h, :] | v[h:, :]
        n = h
    return v


def _pack_bits(codes, lo_hi_axis_reduce):
    sh = codes & 31
    val = jnp.left_shift(1, sh)
    lo = lo_hi_axis_reduce(jnp.where(codes < 32, val, 0))
    hi = lo_hi_axis_reduce(jnp.where(codes >= 32, val, 0))
    return lo, hi


def _tc2_body(sg_ref, pmap_ref, out_ref):
    st = sg_ref[...]

    nxt = jnp.concatenate([st[1:, :], st[:1, :]], axis=0)
    codes = st * _L + nxt
    rio = lax.broadcasted_iota(jnp.int32, (_N, _TW), 0)
    codes = jnp.where(rio == _N - 1, codes[0:1, :], codes)

    lo, hi = _pack_bits(codes, _or_sublanes)
    ksub = lax.broadcasted_iota(jnp.int32, (_NCODE, _TW), 0)
    src = jnp.where(ksub < 32, lo, hi)
    pcol = (lax.shift_right_logical(src, ksub & 31) & 1).astype(jnp.float32)

    fr = st[0:1, :]
    lr = st[_N - 1 : _N, :]
    nxt_first = jnp.concatenate([fr[:, 1:], fr[:, :1]], axis=1)
    cross = lr * _L + nxt_first
    cio = lax.broadcasted_iota(jnp.int32, (_NCODE, _TW), 1)
    valid = ((cio % _C) != _C - 1) & (cio < _R - 1)
    ohc = ((jnp.broadcast_to(cross, (_NCODE, _TW)) == ksub) & valid).astype(
        jnp.float32
    )

    rio2 = lax.broadcasted_iota(jnp.int32, (_TW, _B), 0)
    bio2 = lax.broadcasted_iota(jnp.int32, (_TW, _B), 1)
    fold = ((rio2 // _C == bio2) & (rio2 < _R)).astype(jnp.float32)
    cnt = lax.dot_general(
        pcol + ohc, fold, (((1,), (0,)), ((), ())),
        preferred_element_type=jnp.float32,
    )
    ps2 = (cnt > 0).astype(jnp.float32)

    pm = pmap_ref[...]
    pnxt = jnp.concatenate([pm[:, 1:], pm[:, :1]], axis=1)
    pcodes = pm * _L + pnxt
    pcio = lax.broadcasted_iota(jnp.int32, (_P, _N), 1)
    pcodes = jnp.where(pcio == _N - 1, pcodes[:, 0:1], pcodes)
    plo, phi = _pack_bits(pcodes, _or_lanes)
    klane = lax.broadcasted_iota(jnp.int32, (_P, _NCODE), 1)
    psrc = jnp.where(klane < 32, plo, phi)
    pp = (lax.shift_right_logical(psrc, klane & 31) & 1).astype(jnp.float32)

    ones_col = jnp.ones((_NCODE, 1), jnp.float32)
    cs = lax.dot_general(
        ps2, ones_col, (((0,), (0,)), ((), ())),
        preferred_element_type=jnp.float32,
    )
    ones_row = jnp.ones((1, _NCODE), jnp.float32)
    cp_row = lax.dot_general(
        ones_row, pp, (((1,), (1,)), ((), ())),
        preferred_element_type=jnp.float32,
    )
    inter = lax.dot_general(
        ps2, pp, (((0,), (1,)), ((), ())),
        preferred_element_type=jnp.float32,
    )

    sel_last = ((rio2 == _C * bio2 + (_C - 1)) & (rio2 < _R)).astype(jnp.float32)
    s_last = lax.dot_general(
        sel_last, lr.astype(jnp.float32), (((0,), (1,)), ((), ())),
        preferred_element_type=jnp.float32,
    )
    eye = (
        lax.broadcasted_iota(jnp.int32, (_P, _P), 0)
        == lax.broadcasted_iota(jnp.int32, (_P, _P), 1)
    ).astype(jnp.float32)
    p_first = lax.dot_general(
        pm[:, 0:1].astype(jnp.float32), eye, (((0,), (0,)), ((), ())),
        preferred_element_type=jnp.float32,
    )
    pst = lax.dot_general(
        ps2, eye, (((0,), (0,)), ((), ())),
        preferred_element_type=jnp.float32,
    )
    kb = (s_last * _L + p_first).astype(jnp.int32)
    ki = lax.broadcasted_iota(jnp.int32, (_B, _P, _NCODE), 2)
    oh = kb[:, :, None] == ki
    u_s = jnp.sum(jnp.where(oh, pst[:, None, :], 0.0), axis=2)
    u_p = jnp.sum(jnp.where(oh, pp[None, :, :], 0.0), axis=2)
    present_kb = ((u_s + u_p) > 0).astype(jnp.float32)

    csp = cs + cp_row - inter + (1.0 - present_kb)
    mn = jnp.minimum(cs, cp_row)
    mx = jnp.maximum(cs, cp_row)
    out_ref[...] = (csp - mn) / mx


_tc2_call = pl.pallas_call(
    _tc2_body,
    out_shape=jax.ShapeDtypeStruct((_B, _P), jnp.float32),
)


def kernel(x, curve, levels, pmap):
    xr = x.reshape(_R, _N)
    table = _tc1_call(xr, levels)
    sg = _sc_gather_call()(table, curve.astype(jnp.int32))
    pmap_flat = pmap.reshape(_P, _N).astype(jnp.int32)
    return _tc2_call(sg, pmap_flat)

# --- scband reference (transcript-rebuilt; emitter-appended) ---
"""Pipeline reference for scband-ccp-8873402433933 (READ-ONLY COPY).

The authoritative reference and input builder live on the scoring server;
editing this copy changes nothing except your own understanding.
"""

import jax, jax.numpy as jnp
import numpy as np

B, C, H, W = 16, 3, 64, 64
N = H * W
L = 8
P0, P1 = 8, 8


def setup_inputs(seed: int = 0) -> dict:
    key = jax.random.key(seed)
    k1, k2, k3, k4 = jax.random.split(key, 4)
    x = jax.random.normal(k1, (B, C, H, W), dtype=jnp.float32)
    # space-filling curve: a permutation of the H*W spatial positions
    curve = jax.random.permutation(k2, N).astype(jnp.int32)
    # per-channel quantization levels, sorted along level axis
    levels = jnp.sort(jax.random.normal(k3, (C, L), dtype=jnp.float32), axis=1)
    # prototype maps: integer symbol strings in [0, L)
    pmap = jax.random.randint(k4, (P0, P1, N), 0, L).astype(jnp.int32)
    return {"x": x, "curve": curve, "levels": levels, "pmap": pmap}


def _cnt(s, K):
    # compression-complexity proxy: number of distinct bigrams (stand-in for
    # LZW dictionary size computed by the original custom CUDA kernel)
    codes = s[:-1].astype(jnp.int32) * K + s[1:].astype(jnp.int32)
    srt = jnp.sort(codes)
    return 1 + jnp.sum((srt[1:] != srt[:-1]).astype(jnp.int32))


def reference(x, curve, levels, pmap):
    b = x.shape[0]
    out = x.reshape(b, x.shape[1], -1)
    out = out[:, :, curve]
    # quantize each value to nearest per-channel level (argmin over levels)
    d = jnp.abs(out[:, :, None, :] - levels[None, :, :, None])
    strings = jnp.argmin(d, axis=2).astype(jnp.int32)  # [B, C, N]
    K = levels.shape[1]
    s_flat = strings.reshape(b, -1)                      # [B, C*N]
    p_flat = pmap.reshape(-1, pmap.shape[-1]).astype(jnp.int32)  # [P0*P1, N]

    Cs = jax.vmap(lambda s: _cnt(s, K))(s_flat)          # [B]
    Cp = jax.vmap(lambda p: _cnt(p, K))(p_flat)          # [P]

    def pair(s, p):
        return _cnt(jnp.concatenate([s, p]), K)

    Csp = jax.vmap(lambda s: jax.vmap(lambda p: pair(s, p))(p_flat))(s_flat)  # [B, P]

    Cs_f = Cs.astype(jnp.float32)[:, None]
    Cp_f = Cp.astype(jnp.float32)[None, :]
    ncds = (Csp.astype(jnp.float32) - jnp.minimum(Cs_f, Cp_f)) / jnp.maximum(Cs_f, Cp_f)
    return ncds.reshape(b, -1)  # [B, P0*P1]

if __name__ == "__main__":
    import jax
    _d = setup_inputs()
    print(jax.jit(kernel)(*tuple(_d.values())))

</pallas_src>

<mosaic_0001>
#map = affine_map<(d0, d1) -> (0, 0)>
#map1 = affine_map<(d0, d1) -> (0)>
module attributes {stable_mosaic.version = 14 : i64} {
  func.func @_sc_gather(%arg0: i32, %arg1: i32, %arg2: memref<4096x128xi32, #tpu.memory_space<hbm>>, %arg3: memref<4096xi32, #tpu.memory_space<hbm>>, %arg4: memref<4096x128xi32, #tpu.memory_space<hbm>>, %arg5: memref<128xi32, #tpu.memory_space<vmem>>, %arg6: memref<128x128xi32, #tpu.memory_space<vmem>>, %arg7: memref<!tpu.dma_semaphore, #tpu.memory_space<semaphore_mem>>) attributes {dimension_semantics = [#tpu.dimension_semantics<core_parallel>, #tpu.dimension_semantics<subcore_parallel>], iteration_bounds = array<i64: 2, 16>, scalar_prefetch = 0 : i64, scratch_operands = 3 : i64, tpu.core_type = #tpu.core_type<sc_vector_subcore>, window_params = [{transform_indices = #map}, {transform_indices = #map1}, {transform_indices = #map}]} {
    %mul3A = arith.constant 2 : i32
    %mul3A_0 = arith.muli %arg1, %mul3A : i32
    %add3A = arith.addi %mul3A_0, %arg0 : i32
    %mul3A_1 = arith.constant 128 : i32
    %mul3A_2 = arith.muli %add3A, %mul3A_1 : i32
    "tpu.region"() ({
      %run_scoped3A = tpu.sem_alloc : memref<!tpu.dma_semaphore, #tpu.memory_space<semaphore_mem>>
      %dma_start3A_7 = tpu.memref_slice %arg3[%mul3A_2] : memref<4096xi32, #tpu.memory_space<hbm>> -> memref<128xi32, #tpu.memory_space<hbm>>
      %dma_start3A_8 = tpu.memref_slice %arg3[%mul3A_2] : memref<4096xi32, #tpu.memory_space<hbm>> -> memref<128xi32, #tpu.memory_space<hbm>>
      tpu.enqueue_dma source(%dma_start3A_8 : memref<128xi32, #tpu.memory_space<hbm>>) target(%arg5 : memref<128xi32, #tpu.memory_space<vmem>>) target_semaphore(%run_scoped3A : memref<!tpu.dma_semaphore, #tpu.memory_space<semaphore_mem>>)
      %dma_wait3A_9 = tpu.memref_slice %arg3[%mul3A_2] : memref<4096xi32, #tpu.memory_space<hbm>> -> memref<128xi32, #tpu.memory_space<hbm>>
      %dma_wait3A_10 = tpu.memref_slice %arg3[%mul3A_2] : memref<4096xi32, #tpu.memory_space<hbm>> -> memref<128xi32, #tpu.memory_space<hbm>>
      tpu.wait_dma2 semaphore(%run_scoped3A : memref<!tpu.dma_semaphore, #tpu.memory_space<semaphore_mem>>) src(%dma_wait3A_10 : memref<128xi32, #tpu.memory_space<hbm>>) dst(%arg5 : memref<128xi32, #tpu.memory_space<vmem>>)
      tpu.yield
    }) : () -> ()
    %dma_start3A = arith.constant 0 : i32
    %dma_start3A_3 = arith.constant 0 : i32
    %dma_start3A_4 = tpu.memref_slice %arg2[%dma_start3A, %dma_start3A_3] : memref<4096x128xi32, #tpu.memory_space<hbm>> -> memref<4096x128xi32, #tpu.memory_space<hbm>>
    tpu.enqueue_indirect_dma source(%dma_start3A_4 : memref<4096x128xi32, #tpu.memory_space<hbm>>) target(%arg6 : memref<128x128xi32, #tpu.memory_space<vmem>>) offsets(%arg5 : memref<128xi32, #tpu.memory_space<vmem>>) semaphore(%arg7 : memref<!tpu.dma_semaphore, #tpu.memory_space<semaphore_mem>>)
    %dma_wait3A = arith.constant 0 : i32
    %dma_wait3A_5 = arith.constant 0 : i32
    %dma_wait3A_6 = tpu.memref_slice %arg2[%dma_wait3A, %dma_wait3A_5] : memref<4096x128xi32, #tpu.memory_space<hbm>> -> memref<4096x128xi32, #tpu.memory_space<hbm>>
    tpu.wait_indirect_dma semaphore(%arg7 : memref<!tpu.dma_semaphore, #tpu.memory_space<semaphore_mem>>) src(%dma_wait3A_6 : memref<4096x128xi32, #tpu.memory_space<hbm>>) dst(%arg6 : memref<128x128xi32, #tpu.memory_space<vmem>>)
    "tpu.region"() ({
      %run_scoped3A = tpu.sem_alloc : memref<!tpu.dma_semaphore, #tpu.memory_space<semaphore_mem>>
      %dma_start3A_7 = arith.constant 0 : i32
      %dma_start3A_8 = tpu.memref_slice %arg4[%mul3A_2, %dma_start3A_7] : memref<4096x128xi32, #tpu.memory_space<hbm>> -> memref<128x128xi32, #tpu.memory_space<hbm>>
      %dma_start3A_9 = arith.constant 0 : i32
      %dma_start3A_10 = tpu.memref_slice %arg4[%mul3A_2, %dma_start3A_9] : memref<4096x128xi32, #tpu.memory_space<hbm>> -> memref<128x128xi32, #tpu.memory_space<hbm>>
      tpu.enqueue_dma source(%arg6 : memref<128x128xi32, #tpu.memory_space<vmem>>) target(%dma_start3A_10 : memref<128x128xi32, #tpu.memory_space<hbm>>) target_semaphore(%run_scoped3A : memref<!tpu.dma_semaphore, #tpu.memory_space<semaphore_mem>>)
      %dma_wait3A_11 = arith.constant 0 : i32
      %dma_wait3A_12 = tpu.memref_slice %arg4[%mul3A_2, %dma_wait3A_11] : memref<4096x128xi32, #tpu.memory_space<hbm>> -> memref<128x128xi32, #tpu.memory_space<hbm>>
      %dma_wait3A_13 = arith.constant 0 : i32
      %dma_wait3A_14 = tpu.memref_slice %arg4[%mul3A_2, %dma_wait3A_13] : memref<4096x128xi32, #tpu.memory_space<hbm>> -> memref<128x128xi32, #tpu.memory_space<hbm>>
      tpu.wait_dma2 semaphore(%run_scoped3A : memref<!tpu.dma_semaphore, #tpu.memory_space<semaphore_mem>>) src(%arg6 : memref<128x128xi32, #tpu.memory_space<vmem>>) dst(%dma_wait3A_14 : memref<128x128xi32, #tpu.memory_space<hbm>>)
      tpu.yield
    }) : () -> ()
    return
  }
}

module attributes {stable_mosaic.version = 14 : i64} {
  func.func @_tc1_body(%arg0: memref<48x4096xf32, #tpu.memory_space<vmem>>, %arg1: memref<3x8xf32, #tpu.memory_space<smem>>, %arg2: memref<4096x128xi32, #tpu.memory_space<vmem>>) attributes {dimension_semantics = [], scalar_prefetch = 0 : i64, scratch_operands = 0 : i64, tpu.core_type = #tpu.core_type<tc>} {
    %get3A = arith.constant 0 : index
    %get3A_0 = arith.constant 0 : index
    %get3A_1 = vector.load %arg0[%get3A, %get3A_0] : memref<48x4096xf32, #tpu.memory_space<vmem>>, vector<48x4096xf32>
    %iota3A = tpu.iota {dimensions = array<i32: 0>} : vector<48x4096xi32>
    %jit3A = arith.constant 3 : i32
    %eq3A = arith.constant 0 : i32
    %eq3A_2 = arith.cmpi eq, %jit3A, %eq3A : i32
    %jit3A_3 = arith.constant 1 : i32
    %select_n3A = arith.select %eq3A_2, %jit3A_3, %jit3A : i32
    %rem3A = vector.broadcast %select_n3A : i32 to vector<48x4096xi32>
    %rem3A_4 = arith.remsi %iota3A, %rem3A : vector<48x4096xi32>
    %ne3A = arith.constant 0 : i32
    %ne3A_5 = vector.broadcast %ne3A : i32 to vector<48x4096xi32>
    %ne3A_6 = arith.cmpi ne, %rem3A_4, %ne3A_5 : vector<48x4096xi32>
    %lt3A = arith.constant 0 : i32
    %lt3A_7 = vector.broadcast %lt3A : i32 to vector<48x4096xi32>
    %lt3A_8 = arith.cmpi slt, %rem3A_4, %lt3A_7 : vector<48x4096xi32>
    %lt3A_9 = arith.constant 0 : i32
    %lt3A_10 = arith.cmpi slt, %select_n3A, %lt3A_9 : i32
    %ne3A_11 = vector.broadcast %lt3A_10 : i1 to vector<48x4096xi1>
    %ne3A_12 = vector.broadcast %ne3A_11 : vector<48x4096xi1> to vector<48x4096xi1>
    %ne3A_13 = arith.xori %lt3A_8, %ne3A_12 : vector<48x4096xi1>
    %and3A = arith.andi %ne3A_13, %ne3A_6 : vector<48x4096xi1>
    %add3A = vector.broadcast %select_n3A : i32 to vector<48x4096xi32>
    %add3A_14 = arith.addi %rem3A_4, %add3A : vector<48x4096xi32>
    %select_n3A_15 = arith.select %and3A, %add3A_14, %rem3A_4 : vector<48x4096xi1>, vector<48x4096xi32>
    %eq3A_16 = arith.constant 0 : i32
    %eq3A_17 = vector.broadcast %eq3A_16 : i32 to vector<48x4096xi32>
    %eq3A_18 = arith.cmpi eq, %select_n3A_15, %eq3A_17 : vector<48x4096xi32>
    %get3A_19 = arith.constant 0 : index
    %get3A_20 = arith.constant 0 : index
    %get3A_21 = memref.load %arg1[%get3A_19, %get3A_20] : memref<3x8xf32, #tpu.memory_space<smem>>
    %eq3A_22 = arith.constant 1 : i32
    %eq3A_23 = vector.broadcast %eq3A_22 : i32 to vector<48x4096xi32>
    %eq3A_24 = arith.cmpi eq, %select_n3A_15, %eq3A_23 : vector<48x4096xi32>
    %get3A_25 = arith.constant 1 : index
    %get3A_26 = arith.constant 0 : index
    %get3A_27 = memref.load %arg1[%get3A_25, %get3A_26] : memref<3x8xf32, #tpu.memory_space<smem>>
    %get3A_28 = arith.constant 2 : index
    %get3A_29 = arith.constant 0 : index
    %get3A_30 = memref.load %arg1[%get3A_28, %get3A_29] : memref<3x8xf32, #tpu.memory_space<smem>>
    %broadcast_in_dim3A = vector.broadcast %get3A_27 : f32 to vector<48x4096xf32>
    %broadcast_in_dim3A_31 = vector.broadcast %get3A_30 : f32 to vector<48x4096xf32>
    %select_n3A_32 = arith.select %eq3A_24, %broadcast_in_dim3A, %broadcast_in_dim3A_31 : vector<48x4096xi1>, vector<48x4096xf32>
    %broadcast_in_dim3A_33 = vector.broadcast %get3A_21 : f32 to vector<48x4096xf32>
    %select_n3A_34 = arith.select %eq3A_18, %broadcast_in_dim3A_33, %select_n3A_32 : vector<48x4096xi1>, vector<48x4096xf32>
    %sub3A = arith.subf %get3A_1, %select_n3A_34 : vector<48x4096xf32>
    %abs3A = math.absf %sub3A : vector<48x4096xf32>
    %broadcast_in_dim3A_35 = arith.constant 0 : i32
    %broadcast_in_dim3A_36 = vector.broadcast %broadcast_in_dim3A_35 : i32 to vector<48x4096xi32>
    %eq3A_37 = arith.constant 0 : i32
    %eq3A_38 = vector.broadcast %eq3A_37 : i32 to vector<48x4096xi32>
    %eq3A_39 = arith.cmpi eq, %select_n3A_15, %eq3A_38 : vector<48x4096xi32>
    %get3A_40 = arith.constant 0 : index
    %get3A_41 = arith.constant 1 : index
    %get3A_42 = memref.load %arg1[%get3A_40, %get3A_41] : memref<3x8xf32, #tpu.memory_space<smem>>
    %eq3A_43 = arith.constant 1 : i32
    %eq3A_44 = vector.broadcast %eq3A_43 : i32 to vector<48x4096xi32>
    %eq3A_45 = arith.cmpi eq, %select_n3A_15, %eq3A_44 : vector<48x4096xi32>
    %get3A_46 = arith.constant 1 : index
    %get3A_47 = arith.constant 1 : index
    %get3A_48 = memref.load %arg1[%get3A_46, %get3A_47] : memref<3x8xf32, #tpu.memory_space<smem>>
    %get3A_49 = arith.constant 2 : index
    %get3A_50 = arith.constant 1 : index
    %get3A_51 = memref.load %arg1[%get3A_49, %get3A_50] : memref<3x8xf32, #tpu.memory_space<smem>>
    %broadcast_in_dim3A_52 = vector.broadcast %get3A_48 : f32 to vector<48x4096xf32>
    %broadcast_in_dim3A_53 = vector.broadcast %get3A_51 : f32 to vector<48x4096xf32>
    %select_n3A_54 = arith.select %eq3A_45, %broadcast_in_dim3A_52, %broadcast_in_dim3A_53 : vector<48x4096xi1>, vector<48x4096xf32>
    %broadcast_in_dim3A_55 = vector.broadcast %get3A_42 : f32 to vector<48x4096xf32>
    %select_n3A_56 = arith.select %eq3A_39, %broadcast_in_dim3A_55, %select_n3A_54 : vector<48x4096xi1>, vector<48x4096xf32>
    %sub3A_57 = arith.subf %get3A_1, %select_n3A_56 : vector<48x4096xf32>
    %abs3A_58 = math.absf %sub3A_57 : vector<48x4096xf32>
    %lt3A_59 = arith.cmpf olt, %abs3A_58, %abs3A : vector<48x4096xf32>
    %jit3A_60 = arith.constant 1 : i32
    %broadcast_in_dim3A_61 = vector.broadcast %jit3A_60 : i32 to vector<48x4096xi32>
    %select_n3A_62 = arith.select %lt3A_59, %broadcast_in_dim3A_61, %broadcast_in_dim3A_36 : vector<48x4096xi1>, vector<48x4096xi32>
    %select_n3A_63 = arith.select %lt3A_59, %abs3A_58, %abs3A : vector<48x4096xi1>, vector<48x4096xf32>
    %eq3A_64 = arith.constant 0 : i32
    %eq3A_65 = vector.broadcast %eq3A_64 : i32 to vector<48x4096xi32>
    %eq3A_66 = arith.cmpi eq, %select_n3A_15, %eq3A_65 : vector<48x4096xi32>
    %get3A_67 = arith.constant 0 : index
    %get3A_68 = arith.constant 2 : index
    %get3A_69 = memref.load %arg1[%get3A_67, %get3A_68] : memref<3x8xf32, #tpu.memory_space<smem>>
    %eq3A_70 = arith.constant 1 : i32
    %eq3A_71 = vector.broadcast %eq3A_70 : i32 to vector<48x4096xi32>
    %eq3A_72 = arith.cmpi eq, %select_n3A_15, %eq3A_71 : vector<48x4096xi32>
    %get3A_73 = arith.constant 1 : index
    %get3A_74 = arith.constant 2 : index
    %get3A_75 = memref.load %arg1[%get3A_73, %get3A_74] : memref<3x8xf32, #tpu.memory_space<smem>>
    %get3A_76 = arith.constant 2 : index
    %get3A_77 = arith.constant 2 : index
    %get3A_78 = memref.load %arg1[%get3A_76, %get3A_77] : memref<3x8xf32, #tpu.memory_space<smem>>
    %broadcast_in_dim3A_79 = vector.broadcast %get3A_75 : f32 to vector<48x4096xf32>
    %broadcast_in_dim3A_80 = vector.broadcast %get3A_78 : f32 to vector<48x4096xf32>
    %select_n3A_81 = arith.select %eq3A_72, %broadcast_in_dim3A_79, %broadcast_in_dim3A_80 : vector<48x4096xi1>, vector<48x4096xf32>
    %broadcast_in_dim3A_82 = vector.broadcast %get3A_69 : f32 to vector<48x4096xf32>
    %select_n3A_83 = arith.select %eq3A_66, %broadcast_in_dim3A_82, %select_n3A_81 : vector<48x4096xi1>, vector<48x4096xf32>
    %sub3A_84 = arith.subf %get3A_1, %select_n3A_83 : vector<48x4096xf32>
    %abs3A_85 = math.absf %sub3A_84 : vector<48x4096xf32>
    %lt3A_86 = arith.cmpf olt, %abs3A_85, %select_n3A_63 : vector<48x4096xf32>
    %jit3A_87 = arith.constant 2 : i32
    %broadcast_in_dim3A_88 = vector.broadcast %jit3A_87 : i32 to vector<48x4096xi32>
    %select_n3A_89 = arith.select %lt3A_86, %broadcast_in_dim3A_88, %select_n3A_62 : vector<48x4096xi1>, vector<48x4096xi32>
    %select_n3A_90 = arith.select %lt3A_86, %abs3A_85, %select_n3A_63 : vector<48x4096xi1>, vector<48x4096xf32>
    %eq3A_91 = arith.constant 0 : i32
    %eq3A_92 = vector.broadcast %eq3A_91 : i32 to vector<48x4096xi32>
    %eq3A_93 = arith.cmpi eq, %select_n3A_15, %eq3A_92 : vector<48x4096xi32>
    %get3A_94 = arith.constant 0 : index
    %get3A_95 = arith.constant 3 : index
    %get3A_96 = memref.load %arg1[%get3A_94, %get3A_95] : memref<3x8xf32, #tpu.memory_space<smem>>
    %eq3A_97 = arith.constant 1 : i32
    %eq3A_98 = vector.broadcast %eq3A_97 : i32 to vector<48x4096xi32>
    %eq3A_99 = arith.cmpi eq, %select_n3A_15, %eq3A_98 : vector<48x4096xi32>
    %get3A_100 = arith.constant 1 : index
    %get3A_101 = arith.constant 3 : index
    %get3A_102 = memref.load %arg1[%get3A_100, %get3A_101] : memref<3x8xf32, #tpu.memory_space<smem>>
    %get3A_103 = arith.constant 2 : index
    %get3A_104 = arith.constant 3 : index
    %get3A_105 = memref.load %arg1[%get3A_103, %get3A_104] : memref<3x8xf32, #tpu.memory_space<smem>>
    %broadcast_in_dim3A_106 = vector.broadcast %get3A_102 : f32 to vector<48x4096xf32>
    %broadcast_in_dim3A_107 = vector.broadcast %get3A_105 : f32 to vector<48x4096xf32>
    %select_n3A_108 = arith.select %eq3A_99, %broadcast_in_dim3A_106, %broadcast_in_dim3A_107 : vector<48x4096xi1>, vector<48x4096xf32>
    %broadcast_in_dim3A_109 = vector.broadcast %get3A_96 : f32 to vector<48x4096xf32>
    %select_n3A_110 = arith.select %eq3A_93, %broadcast_in_dim3A_109, %select_n3A_108 : vector<48x4096xi1>, vector<48x4096xf32>
    %sub3A_111 = arith.subf %get3A_1, %select_n3A_110 : vector<48x4096xf32>
    %abs3A_112 = math.absf %sub3A_111 : vector<48x4096xf32>
    %lt3A_113 = arith.cmpf olt, %abs3A_112, %select_n3A_90 : vector<48x4096xf32>
    %jit3A_114 = arith.constant 3 : i32
    %broadcast_in_dim3A_115 = vector.broadcast %jit3A_114 : i32 to vector<48x4096xi32>
    %select_n3A_116 = arith.select %lt3A_113, %broadcast_in_dim3A_115, %select_n3A_89 : vector<48x4096xi1>, vector<48x4096xi32>
    %select_n3A_117 = arith.select %lt3A_113, %abs3A_112, %select_n3A_90 : vector<48x4096xi1>, vector<48x4096xf32>
    %eq3A_118 = arith.constant 0 : i32
    %eq3A_119 = vector.broadcast %eq3A_118 : i32 to vector<48x4096xi32>
    %eq3A_120 = arith.cmpi eq, %select_n3A_15, %eq3A_119 : vector<48x4096xi32>
    %get3A_121 = arith.constant 0 : index
    %get3A_122 = arith.constant 4 : index
    %get3A_123 = memref.load %arg1[%get3A_121, %get3A_122] : memref<3x8xf32, #tpu.memory_space<smem>>
    %eq3A_124 = arith.constant 1 : i32
    %eq3A_125 = vector.broadcast %eq3A_124 : i32 to vector<48x4096xi32>
    %eq3A_126 = arith.cmpi eq, %select_n3A_15, %eq3A_125 : vector<48x4096xi32>
    %get3A_127 = arith.constant 1 : index
    %get3A_128 = arith.constant 4 : index
    %get3A_129 = memref.load %arg1[%get3A_127, %get3A_128] : memref<3x8xf32, #tpu.memory_space<smem>>
    %get3A_130 = arith.constant 2 : index
    %get3A_131 = arith.constant 4 : index
    %get3A_132 = memref.load %arg1[%get3A_130, %get3A_131] : memref<3x8xf32, #tpu.memory_space<smem>>
    %broadcast_in_dim3A_133 = vector.broadcast %get3A_129 : f32 to vector<48x4096xf32>
    %broadcast_in_dim3A_134 = vector.broadcast %get3A_132 : f32 to vector<48x4096xf32>
    %select_n3A_135 = arith.select %eq3A_126, %broadcast_in_dim3A_133, %broadcast_in_dim3A_134 : vector<48x4096xi1>, vector<48x4096xf32>
    %broadcast_in_dim3A_136 = vector.broadcast %get3A_123 : f32 to vector<48x4096xf32>
    %select_n3A_137 = arith.select %eq3A_120, %broadcast_in_dim3A_136, %select_n3A_135 : vector<48x4096xi1>, vector<48x4096xf32>
    %sub3A_138 = arith.subf %get3A_1, %select_n3A_137 : vector<48x4096xf32>
    %abs3A_139 = math.absf %sub3A_138 : vector<48x4096xf32>
    %lt3A_140 = arith.cmpf olt, %abs3A_139, %select_n3A_117 : vector<48x4096xf32>
    %jit3A_141 = arith.constant 4 : i32
    %broadcast_in_dim3A_142 = vector.broadcast %jit3A_141 : i32 to vector<48x4096xi32>
    %select_n3A_143 = arith.select %lt3A_140, %broadcast_in_dim3A_142, %select_n3A_116 : vector<48x4096xi1>, vector<48x4096xi32>
    %select_n3A_144 = arith.select %lt3A_140, %abs3A_139, %select_n3A_117 : vector<48x4096xi1>, vector<48x4096xf32>
    %eq3A_145 = arith.constant 0 : i32
    %eq3A_146 = vector.broadcast %eq3A_145 : i32 to vector<48x4096xi32>
    %eq3A_147 = arith.cmpi eq, %select_n3A_15, %eq3A_146 : vector<48x4096xi32>
    %get3A_148 = arith.constant 0 : index
    %get3A_149 = arith.constant 5 : index
    %get3A_150 = memref.load %arg1[%get3A_148, %get3A_149] : memref<3x8xf32, #tpu.memory_space<smem>>
    %eq3A_151 = arith.constant 1 : i32
    %eq3A_152 = vector.broadcast %eq3A_151 : i32 to vector<48x4096xi32>
    %eq3A_153 = arith.cmpi eq, %select_n3A_15, %eq3A_152 : vector<48x4096xi32>
    %get3A_154 = arith.constant 1 : index
    %get3A_155 = arith.constant 5 : index
    %get3A_156 = memref.load %arg1[%get3A_154, %get3A_155] : memref<3x8xf32, #tpu.memory_space<smem>>
    %get3A_157 = arith.constant 2 : index
    %get3A_158 = arith.constant 5 : index
    %get3A_159 = memref.load %arg1[%get3A_157, %get3A_158] : memref<3x8xf32, #tpu.memory_space<smem>>
    %broadcast_in_dim3A_160 = vector.broadcast %get3A_156 : f32 to vector<48x4096xf32>
    %broadcast_in_dim3A_161 = vector.broadcast %get3A_159 : f32 to vector<48x4096xf32>
    %select_n3A_162 = arith.select %eq3A_153, %broadcast_in_dim3A_160, %broadcast_in_dim3A_161 : vector<48x4096xi1>, vector<48x4096xf32>
    %broadcast_in_dim3A_163 = vector.broadcast %get3A_150 : f32 to vector<48x4096xf32>
    %select_n3A_164 = arith.select %eq3A_147, %broadcast_in_dim3A_163, %select_n3A_162 : vector<48x4096xi1>, vector<48x4096xf32>
    %sub3A_165 = arith.subf %get3A_1, %select_n3A_164 : vector<48x4096xf32>
    %abs3A_166 = math.absf %sub3A_165 : vector<48x4096xf32>
    %lt3A_167 = arith.cmpf olt, %abs3A_166, %select_n3A_144 : vector<48x4096xf32>
    %jit3A_168 = arith.constant 5 : i32
    %broadcast_in_dim3A_169 = vector.broadcast %jit3A_168 : i32 to vector<48x4096xi32>
    %select_n3A_170 = arith.select %lt3A_167, %broadcast_in_dim3A_169, %select_n3A_143 : vector<48x4096xi1>, vector<48x4096xi32>
    %select_n3A_171 = arith.select %lt3A_167, %abs3A_166, %select_n3A_144 : vector<48x4096xi1>, vector<48x4096xf32>
    %eq3A_172 = arith.constant 0 : i32
    %eq3A_173 = vector.broadcast %eq3A_172 : i32 to vector<48x4096xi32>
    %eq3A_174 = arith.cmpi eq, %select_n3A_15, %eq3A_173 : vector<48x4096xi32>
    %get3A_175 = arith.constant 0 : index
    %get3A_176 = arith.constant 6 : index
    %get3A_177 = memref.load %arg1[%get3A_175, %get3A_176] : memref<3x8xf32, #tpu.memory_space<smem>>
    %eq3A_178 = arith.constant 1 : i32
    %eq3A_179 = vector.broadcast %eq3A_178 : i32 to vector<48x4096xi32>
    %eq3A_180 = arith.cmpi eq, %select_n3A_15, %eq3A_179 : vector<48x4096xi32>
    %get3A_181 = arith.constant 1 : index
    %get3A_182 = arith.constant 6 : index
    %get3A_183 = memref.load %arg1[%get3A_181, %get3A_182] : memref<3x8xf32, #tpu.memory_space<smem>>
    %get3A_184 = arith.constant 2 : index
    %get3A_185 = arith.constant 6 : index
    %get3A_186 = memref.load %arg1[%get3A_184, %get3A_185] : memref<3x8xf32, #tpu.memory_space<smem>>
    %broadcast_in_dim3A_187 = vector.broadcast %get3A_183 : f32 to vector<48x4096xf32>
    %broadcast_in_dim3A_188 = vector.broadcast %get3A_186 : f32 to vector<48x4096xf32>
    %select_n3A_189 = arith.select %eq3A_180, %broadcast_in_dim3A_187, %broadcast_in_dim3A_188 : vector<48x4096xi1>, vector<48x4096xf32>
    %broadcast_in_dim3A_190 = vector.broadcast %get3A_177 : f32 to vector<48x4096xf32>
    %select_n3A_191 = arith.select %eq3A_174, %broadcast_in_dim3A_190, %select_n3A_189 : vector<48x4096xi1>, vector<48x4096xf32>
    %sub3A_192 = arith.subf %get3A_1, %select_n3A_191 : vector<48x4096xf32>
    %abs3A_193 = math.absf %sub3A_192 : vector<48x4096xf32>
    %lt3A_194 = arith.cmpf olt, %abs3A_193, %select_n3A_171 : vector<48x4096xf32>
    %jit3A_195 = arith.constant 6 : i32
    %broadcast_in_dim3A_196 = vector.broadcast %jit3A_195 : i32 to vector<48x4096xi32>
    %select_n3A_197 = arith.select %lt3A_194, %broadcast_in_dim3A_196, %select_n3A_170 : vector<48x4096xi1>, vector<48x4096xi32>
    %select_n3A_198 = arith.select %lt3A_194, %abs3A_193, %select_n3A_171 : vector<48x4096xi1>, vector<48x4096xf32>
    %eq3A_199 = arith.constant 0 : i32
    %eq3A_200 = vector.broadcast %eq3A_199 : i32 to vector<48x4096xi32>
    %eq3A_201 = arith.cmpi eq, %select_n3A_15, %eq3A_200 : vector<48x4096xi32>
    %get3A_202 = arith.constant 0 : index
    %get3A_203 = arith.constant 7 : index
    %get3A_204 = memref.load %arg1[%get3A_202, %get3A_203] : memref<3x8xf32, #tpu.memory_space<smem>>
    %eq3A_205 = arith.constant 1 : i32
    %eq3A_206 = vector.broadcast %eq3A_205 : i32 to vector<48x4096xi32>
    %eq3A_207 = arith.cmpi eq, %select_n3A_15, %eq3A_206 : vector<48x4096xi32>
    %get3A_208 = arith.constant 1 : index
    %get3A_209 = arith.constant 7 : index
    %get3A_210 = memref.load %arg1[%get3A_208, %get3A_209] : memref<3x8xf32, #tpu.memory_space<smem>>
    %get3A_211 = arith.constant 2 : index
    %get3A_212 = arith.constant 7 : index
    %get3A_213 = memref.load %arg1[%get3A_211, %get3A_212] : memref<3x8xf32, #tpu.memory_space<smem>>
    %broadcast_in_dim3A_214 = vector.broadcast %get3A_210 : f32 to vector<48x4096xf32>
    %broadcast_in_dim3A_215 = vector.broadcast %get3A_213 : f32 to vector<48x4096xf32>
    %select_n3A_216 = arith.select %eq3A_207, %broadcast_in_dim3A_214, %broadcast_in_dim3A_215 : vector<48x4096xi1>, vector<48x4096xf32>
    %broadcast_in_dim3A_217 = vector.broadcast %get3A_204 : f32 to vector<48x4096xf32>
    %select_n3A_218 = arith.select %eq3A_201, %broadcast_in_dim3A_217, %select_n3A_216 : vector<48x4096xi1>, vector<48x4096xf32>
    %sub3A_219 = arith.subf %get3A_1, %select_n3A_218 : vector<48x4096xf32>
    %abs3A_220 = math.absf %sub3A_219 : vector<48x4096xf32>
    %lt3A_221 = arith.cmpf olt, %abs3A_220, %select_n3A_198 : vector<48x4096xf32>
    %jit3A_222 = arith.constant 7 : i32
    %broadcast_in_dim3A_223 = vector.broadcast %jit3A_222 : i32 to vector<48x4096xi32>
    %select_n3A_224 = arith.select %lt3A_221, %broadcast_in_dim3A_223, %select_n3A_197 : vector<48x4096xi1>, vector<48x4096xi32>
    %transpose3A = tpu.transpose %select_n3A_224, [1, 0] : vector<48x4096xi32> -> vector<4096x48xi32>
    %broadcast_in_dim3A_225 = arith.constant 0 : i32
    %broadcast_in_dim3A_226 = vector.broadcast %broadcast_in_dim3A_225 : i32 to vector<4096x80xi32>
    %concatenate3A = tpu.concatenate %transpose3A, %broadcast_in_dim3A_226 in 1 : vector<4096x48xi32>, vector<4096x80xi32> -> vector<4096x128xi32>
    %swap3A = arith.constant 0 : index
    %swap3A_227 = arith.constant 0 : index
    %swap3A_228 = vector.load %arg2[%swap3A, %swap3A_227] : memref<4096x128xi32, #tpu.memory_space<vmem>>, vector<4096x128xi32>
    tpu.vector_store %arg2[%swap3A, %swap3A_227], %concatenate3A {strides = array<i32>} : memref<4096x128xi32, #tpu.memory_space<vmem>>, vector<4096x128xi32>,
    return
  }
}

module attributes {stable_mosaic.version = 14 : i64} {
  func.func @_tc2_body(%arg0: memref<4096x128xi32, #tpu.memory_space<vmem>>, %arg1: memref<64x4096xi32, #tpu.memory_space<vmem>>, %arg2: memref<16x64xf32, #tpu.memory_space<vmem>>) attributes {dimension_semantics = [], scalar_prefetch = 0 : i64, scratch_operands = 0 : i64, tpu.core_type = #tpu.core_type<tc>} {
    %get3A = arith.constant 0 : index
    %get3A_0 = arith.constant 0 : index
    %get3A_1 = vector.load %arg0[%get3A, %get3A_0] : memref<4096x128xi32, #tpu.memory_space<vmem>>, vector<4096x128xi32>
    %slice3A = vector.extract_strided_slice %get3A_1 {offsets = [1, 0], sizes = [4095, 128], strides = [1, 1]} : vector<4096x128xi32> to vector<4095x128xi32>
    %slice3A_2 = vector.extract_strided_slice %get3A_1 {offsets = [0, 0], sizes = [1, 128], strides = [1, 1]} : vector<4096x128xi32> to vector<1x128xi32>
    %concatenate3A = tpu.concatenate %slice3A, %slice3A_2 in 0 : vector<4095x128xi32>, vector<1x128xi32> -> vector<4096x128xi32>
    %mul3A = arith.constant 8 : i32
    %mul3A_3 = vector.broadcast %mul3A : i32 to vector<4096x128xi32>
    %mul3A_4 = arith.muli %get3A_1, %mul3A_3 : vector<4096x128xi32>
    %add3A = arith.addi %mul3A_4, %concatenate3A : vector<4096x128xi32>
    %iota3A = tpu.iota {dimensions = array<i32: 0>} : vector<4096x128xi32>
    %eq3A = arith.constant 4095 : i32
    %eq3A_5 = vector.broadcast %eq3A : i32 to vector<4096x128xi32>
    %eq3A_6 = arith.cmpi eq, %iota3A, %eq3A_5 : vector<4096x128xi32>
    %slice3A_7 = vector.extract_strided_slice %add3A {offsets = [0, 0], sizes = [1, 128], strides = [1, 1]} : vector<4096x128xi32> to vector<1x128xi32>
    %broadcast_in_dim3A = vector.shape_cast %slice3A_7 : vector<1x128xi32> to vector<1x128xi32>
    %broadcast_in_dim3A_8 = vector.broadcast %broadcast_in_dim3A : vector<1x128xi32> to vector<4096x128xi32>
    %select_n3A = arith.select %eq3A_6, %broadcast_in_dim3A_8, %add3A : vector<4096x128xi1>, vector<4096x128xi32>
    %and3A = arith.constant 31 : i32
    %and3A_9 = vector.broadcast %and3A : i32 to vector<4096x128xi32>
    %and3A_10 = arith.andi %select_n3A, %and3A_9 : vector<4096x128xi32>
    %shift_left3A = arith.constant 1 : i32
    %shift_left3A_11 = vector.broadcast %shift_left3A : i32 to vector<4096x128xi32>
    %shift_left3A_12 = arith.shli %shift_left3A_11, %and3A_10 : vector<4096x128xi32>
    %lt3A = arith.constant 32 : i32
    %lt3A_13 = vector.broadcast %lt3A : i32 to vector<4096x128xi32>
    %lt3A_14 = arith.cmpi slt, %select_n3A, %lt3A_13 : vector<4096x128xi32>
    %jit3A = arith.constant 0 : i32
    %broadcast_in_dim3A_15 = vector.broadcast %jit3A : i32 to vector<4096x128xi32>
    %select_n3A_16 = arith.select %lt3A_14, %shift_left3A_12, %broadcast_in_dim3A_15 : vector<4096x128xi1>, vector<4096x128xi32>
    %slice3A_17 = vector.extract_strided_slice %select_n3A_16 {offsets = [0, 0], sizes = [2048, 128], strides = [1, 1]} : vector<4096x128xi32> to vector<2048x128xi32>
    %slice3A_18 = vector.extract_strided_slice %select_n3A_16 {offsets = [2048, 0], sizes = [2048, 128], strides = [1, 1]} : vector<4096x128xi32> to vector<2048x128xi32>
    %or3A = arith.ori %slice3A_17, %slice3A_18 : vector<2048x128xi32>
    %slice3A_19 = vector.extract_strided_slice %or3A {offsets = [0, 0], sizes = [1024, 128], strides = [1, 1]} : vector<2048x128xi32> to vector<1024x128xi32>
    %slice3A_20 = vector.extract_strided_slice %or3A {offsets = [1024, 0], sizes = [1024, 128], strides = [1, 1]} : vector<2048x128xi32> to vector<1024x128xi32>
    %or3A_21 = arith.ori %slice3A_19, %slice3A_20 : vector<1024x128xi32>
    %slice3A_22 = vector.extract_strided_slice %or3A_21 {offsets = [0, 0], sizes = [512, 128], strides = [1, 1]} : vector<1024x128xi32> to vector<512x128xi32>
    %slice3A_23 = vector.extract_strided_slice %or3A_21 {offsets = [512, 0], sizes = [512, 128], strides = [1, 1]} : vector<1024x128xi32> to vector<512x128xi32>
    %or3A_24 = arith.ori %slice3A_22, %slice3A_23 : vector<512x128xi32>
    %slice3A_25 = vector.extract_strided_slice %or3A_24 {offsets = [0, 0], sizes = [256, 128], strides = [1, 1]} : vector<512x128xi32> to vector<256x128xi32>
    %slice3A_26 = vector.extract_strided_slice %or3A_24 {offsets = [256, 0], sizes = [256, 128], strides = [1, 1]} : vector<512x128xi32> to vector<256x128xi32>
    %or3A_27 = arith.ori %slice3A_25, %slice3A_26 : vector<256x128xi32>
    %slice3A_28 = vector.extract_strided_slice %or3A_27 {offsets = [0, 0], sizes = [128, 128], strides = [1, 1]} : vector<256x128xi32> to vector<128x128xi32>
    %slice3A_29 = vector.extract_strided_slice %or3A_27 {offsets = [128, 0], sizes = [128, 128], strides = [1, 1]} : vector<256x128xi32> to vector<128x128xi32>
    %or3A_30 = arith.ori %slice3A_28, %slice3A_29 : vector<128x128xi32>
    %slice3A_31 = vector.extract_strided_slice %or3A_30 {offsets = [0, 0], sizes = [64, 128], strides = [1, 1]} : vector<128x128xi32> to vector<64x128xi32>
    %slice3A_32 = vector.extract_strided_slice %or3A_30 {offsets = [64, 0], sizes = [64, 128], strides = [1, 1]} : vector<128x128xi32> to vector<64x128xi32>
    %or3A_33 = arith.ori %slice3A_31, %slice3A_32 : vector<64x128xi32>
    %slice3A_34 = vector.extract_strided_slice %or3A_33 {offsets = [0, 0], sizes = [32, 128], strides = [1, 1]} : vector<64x128xi32> to vector<32x128xi32>
    %slice3A_35 = vector.extract_strided_slice %or3A_33 {offsets = [32, 0], sizes = [32, 128], strides = [1, 1]} : vector<64x128xi32> to vector<32x128xi32>
    %or3A_36 = arith.ori %slice3A_34, %slice3A_35 : vector<32x128xi32>
    %slice3A_37 = vector.extract_strided_slice %or3A_36 {offsets = [0, 0], sizes = [16, 128], strides = [1, 1]} : vector<32x128xi32> to vector<16x128xi32>
    %slice3A_38 = vector.extract_strided_slice %or3A_36 {offsets = [16, 0], sizes = [16, 128], strides = [1, 1]} : vector<32x128xi32> to vector<16x128xi32>
    %or3A_39 = arith.ori %slice3A_37, %slice3A_38 : vector<16x128xi32>
    %slice3A_40 = vector.extract_strided_slice %or3A_39 {offsets = [0, 0], sizes = [8, 128], strides = [1, 1]} : vector<16x128xi32> to vector<8x128xi32>
    %slice3A_41 = vector.extract_strided_slice %or3A_39 {offsets = [8, 0], sizes = [8, 128], strides = [1, 1]} : vector<16x128xi32> to vector<8x128xi32>
    %or3A_42 = arith.ori %slice3A_40, %slice3A_41 : vector<8x128xi32>
    %slice3A_43 = vector.extract_strided_slice %or3A_42 {offsets = [0, 0], sizes = [4, 128], strides = [1, 1]} : vector<8x128xi32> to vector<4x128xi32>
    %slice3A_44 = vector.extract_strided_slice %or3A_42 {offsets = [4, 0], sizes = [4, 128], strides = [1, 1]} : vector<8x128xi32> to vector<4x128xi32>
    %or3A_45 = arith.ori %slice3A_43, %slice3A_44 : vector<4x128xi32>
    %slice3A_46 = vector.extract_strided_slice %or3A_45 {offsets = [0, 0], sizes = [2, 128], strides = [1, 1]} : vector<4x128xi32> to vector<2x128xi32>
    %slice3A_47 = vector.extract_strided_slice %or3A_45 {offsets = [2, 0], sizes = [2, 128], strides = [1, 1]} : vector<4x128xi32> to vector<2x128xi32>
    %or3A_48 = arith.ori %slice3A_46, %slice3A_47 : vector<2x128xi32>
    %slice3A_49 = vector.extract_strided_slice %or3A_48 {offsets = [0, 0], sizes = [1, 128], strides = [1, 1]} : vector<2x128xi32> to vector<1x128xi32>
    %slice3A_50 = vector.extract_strided_slice %or3A_48 {offsets = [1, 0], sizes = [1, 128], strides = [1, 1]} : vector<2x128xi32> to vector<1x128xi32>
    %or3A_51 = arith.ori %slice3A_49, %slice3A_50 : vector<1x128xi32>
    %ge3A = arith.constant 32 : i32
    %ge3A_52 = vector.broadcast %ge3A : i32 to vector<4096x128xi32>
    %ge3A_53 = arith.cmpi sge, %select_n3A, %ge3A_52 : vector<4096x128xi32>
    %jit3A_54 = arith.constant 0 : i32
    %broadcast_in_dim3A_55 = vector.broadcast %jit3A_54 : i32 to vector<4096x128xi32>
    %select_n3A_56 = arith.select %ge3A_53, %shift_left3A_12, %broadcast_in_dim3A_55 : vector<4096x128xi1>, vector<4096x128xi32>
    %slice3A_57 = vector.extract_strided_slice %select_n3A_56 {offsets = [0, 0], sizes = [2048, 128], strides = [1, 1]} : vector<4096x128xi32> to vector<2048x128xi32>
    %slice3A_58 = vector.extract_strided_slice %select_n3A_56 {offsets = [2048, 0], sizes = [2048, 128], strides = [1, 1]} : vector<4096x128xi32> to vector<2048x128xi32>
    %or3A_59 = arith.ori %slice3A_57, %slice3A_58 : vector<2048x128xi32>
    %slice3A_60 = vector.extract_strided_slice %or3A_59 {offsets = [0, 0], sizes = [1024, 128], strides = [1, 1]} : vector<2048x128xi32> to vector<1024x128xi32>
    %slice3A_61 = vector.extract_strided_slice %or3A_59 {offsets = [1024, 0], sizes = [1024, 128], strides = [1, 1]} : vector<2048x128xi32> to vector<1024x128xi32>
    %or3A_62 = arith.ori %slice3A_60, %slice3A_61 : vector<1024x128xi32>
    %slice3A_63 = vector.extract_strided_slice %or3A_62 {offsets = [0, 0], sizes = [512, 128], strides = [1, 1]} : vector<1024x128xi32> to vector<512x128xi32>
    %slice3A_64 = vector.extract_strided_slice %or3A_62 {offsets = [512, 0], sizes = [512, 128], strides = [1, 1]} : vector<1024x128xi32> to vector<512x128xi32>
    %or3A_65 = arith.ori %slice3A_63, %slice3A_64 : vector<512x128xi32>
    %slice3A_66 = vector.extract_strided_slice %or3A_65 {offsets = [0, 0], sizes = [256, 128], strides = [1, 1]} : vector<512x128xi32> to vector<256x128xi32>
    %slice3A_67 = vector.extract_strided_slice %or3A_65 {offsets = [256, 0], sizes = [256, 128], strides = [1, 1]} : vector<512x128xi32> to vector<256x128xi32>
    %or3A_68 = arith.ori %slice3A_66, %slice3A_67 : vector<256x128xi32>
    %slice3A_69 = vector.extract_strided_slice %or3A_68 {offsets = [0, 0], sizes = [128, 128], strides = [1, 1]} : vector<256x128xi32> to vector<128x128xi32>
    %slice3A_70 = vector.extract_strided_slice %or3A_68 {offsets = [128, 0], sizes = [128, 128], strides = [1, 1]} : vector<256x128xi32> to vector<128x128xi32>
    %or3A_71 = arith.ori %slice3A_69, %slice3A_70 : vector<128x128xi32>
    %slice3A_72 = vector.extract_strided_slice %or3A_71 {offsets = [0, 0], sizes = [64, 128], strides = [1, 1]} : vector<128x128xi32> to vector<64x128xi32>
    %slice3A_73 = vector.extract_strided_slice %or3A_71 {offsets = [64, 0], sizes = [64, 128], strides = [1, 1]} : vector<128x128xi32> to vector<64x128xi32>
    %or3A_74 = arith.ori %slice3A_72, %slice3A_73 : vector<64x128xi32>
    %slice3A_75 = vector.extract_strided_slice %or3A_74 {offsets = [0, 0], sizes = [32, 128], strides = [1, 1]} : vector<64x128xi32> to vector<32x128xi32>
    %slice3A_76 = vector.extract_strided_slice %or3A_74 {offsets = [32, 0], sizes = [32, 128], strides = [1, 1]} : vector<64x128xi32> to vector<32x128xi32>
    %or3A_77 = arith.ori %slice3A_75, %slice3A_76 : vector<32x128xi32>
    %slice3A_78 = vector.extract_strided_slice %or3A_77 {offsets = [0, 0], sizes = [16, 128], strides = [1, 1]} : vector<32x128xi32> to vector<16x128xi32>
    %slice3A_79 = vector.extract_strided_slice %or3A_77 {offsets = [16, 0], sizes = [16, 128], strides = [1, 1]} : vector<32x128xi32> to vector<16x128xi32>
    %or3A_80 = arith.ori %slice3A_78, %slice3A_79 : vector<16x128xi32>
    %slice3A_81 = vector.extract_strided_slice %or3A_80 {offsets = [0, 0], sizes = [8, 128], strides = [1, 1]} : vector<16x128xi32> to vector<8x128xi32>
    %slice3A_82 = vector.extract_strided_slice %or3A_80 {offsets = [8, 0], sizes = [8, 128], strides = [1, 1]} : vector<16x128xi32> to vector<8x128xi32>
    %or3A_83 = arith.ori %slice3A_81, %slice3A_82 : vector<8x128xi32>
    %slice3A_84 = vector.extract_strided_slice %or3A_83 {offsets = [0, 0], sizes = [4, 128], strides = [1, 1]} : vector<8x128xi32> to vector<4x128xi32>
    %slice3A_85 = vector.extract_strided_slice %or3A_83 {offsets = [4, 0], sizes = [4, 128], strides = [1, 1]} : vector<8x128xi32> to vector<4x128xi32>
    %or3A_86 = arith.ori %slice3A_84, %slice3A_85 : vector<4x128xi32>
    %slice3A_87 = vector.extract_strided_slice %or3A_86 {offsets = [0, 0], sizes = [2, 128], strides = [1, 1]} : vector<4x128xi32> to vector<2x128xi32>
    %slice3A_88 = vector.extract_strided_slice %or3A_86 {offsets = [2, 0], sizes = [2, 128], strides = [1, 1]} : vector<4x128xi32> to vector<2x128xi32>
    %or3A_89 = arith.ori %slice3A_87, %slice3A_88 : vector<2x128xi32>
    %slice3A_90 = vector.extract_strided_slice %or3A_89 {offsets = [0, 0], sizes = [1, 128], strides = [1, 1]} : vector<2x128xi32> to vector<1x128xi32>
    %slice3A_91 = vector.extract_strided_slice %or3A_89 {offsets = [1, 0], sizes = [1, 128], strides = [1, 1]} : vector<2x128xi32> to vector<1x128xi32>
    %or3A_92 = arith.ori %slice3A_90, %slice3A_91 : vector<1x128xi32>
    %iota3A_93 = tpu.iota {dimensions = array<i32: 0>} : vector<64x128xi32>
    %lt3A_94 = arith.constant 32 : i32
    %lt3A_95 = vector.broadcast %lt3A_94 : i32 to vector<64x128xi32>
    %lt3A_96 = arith.cmpi slt, %iota3A_93, %lt3A_95 : vector<64x128xi32>
    %broadcast_in_dim3A_97 = vector.shape_cast %or3A_51 : vector<1x128xi32> to vector<1x128xi32>
    %broadcast_in_dim3A_98 = vector.broadcast %broadcast_in_dim3A_97 : vector<1x128xi32> to vector<64x128xi32>
    %broadcast_in_dim3A_99 = vector.shape_cast %or3A_92 : vector<1x128xi32> to vector<1x128xi32>
    %broadcast_in_dim3A_100 = vector.broadcast %broadcast_in_dim3A_99 : vector<1x128xi32> to vector<64x128xi32>
    %select_n3A_101 = arith.select %lt3A_96, %broadcast_in_dim3A_98, %broadcast_in_dim3A_100 : vector<64x128xi1>, vector<64x128xi32>
    %and3A_102 = arith.constant 31 : i32
    %and3A_103 = vector.broadcast %and3A_102 : i32 to vector<64x128xi32>
    %and3A_104 = arith.andi %iota3A_93, %and3A_103 : vector<64x128xi32>
    %shift_right_logical3A = arith.shrui %select_n3A_101, %and3A_104 : vector<64x128xi32>
    %and3A_105 = arith.constant 1 : i32
    %and3A_106 = vector.broadcast %and3A_105 : i32 to vector<64x128xi32>
    %and3A_107 = arith.andi %shift_right_logical3A, %and3A_106 : vector<64x128xi32>
    %convert_element_type3A = arith.sitofp %and3A_107 : vector<64x128xi32> to vector<64x128xf32>
    %slice3A_108 = vector.extract_strided_slice %get3A_1 {offsets = [0, 0], sizes = [1, 128], strides = [1, 1]} : vector<4096x128xi32> to vector<1x128xi32>
    %slice3A_109 = vector.extract_strided_slice %get3A_1 {offsets = [4095, 0], sizes = [1, 128], strides = [1, 1]} : vector<4096x128xi32> to vector<1x128xi32>
    %slice3A_110 = vector.extract_strided_slice %slice3A_108 {offsets = [0, 1], sizes = [1, 127], strides = [1, 1]} : vector<1x128xi32> to vector<1x127xi32>
    %slice3A_111 = vector.extract_strided_slice %slice3A_108 {offsets = [0, 0], sizes = [1, 1], strides = [1, 1]} : vector<1x128xi32> to vector<1x1xi32>
    %concatenate3A_112 = tpu.concatenate %slice3A_110, %slice3A_111 in 1 : vector<1x127xi32>, vector<1x1xi32> -> vector<1x128xi32>
    %mul3A_113 = arith.constant 8 : i32
    %mul3A_114 = vector.broadcast %mul3A_113 : i32 to vector<1x128xi32>
    %mul3A_115 = arith.muli %slice3A_109, %mul3A_114 : vector<1x128xi32>
    %add3A_116 = arith.addi %mul3A_115, %concatenate3A_112 : vector<1x128xi32>
    %iota3A_117 = tpu.iota {dimensions = array<i32: 1>} : vector<64x128xi32>
    %jit3A_118 = arith.constant 3 : i32
    %eq3A_119 = arith.constant 0 : i32
    %eq3A_120 = arith.cmpi eq, %jit3A_118, %eq3A_119 : i32
    %jit3A_121 = arith.constant 1 : i32
    %select_n3A_122 = arith.select %eq3A_120, %jit3A_121, %jit3A_118 : i32
    %rem3A = vector.broadcast %select_n3A_122 : i32 to vector<64x128xi32>
    %rem3A_123 = arith.remsi %iota3A_117, %rem3A : vector<64x128xi32>
    %ne3A = arith.constant 0 : i32
    %ne3A_124 = vector.broadcast %ne3A : i32 to vector<64x128xi32>
    %ne3A_125 = arith.cmpi ne, %rem3A_123, %ne3A_124 : vector<64x128xi32>
    %lt3A_126 = arith.constant 0 : i32
    %lt3A_127 = vector.broadcast %lt3A_126 : i32 to vector<64x128xi32>
    %lt3A_128 = arith.cmpi slt, %rem3A_123, %lt3A_127 : vector<64x128xi32>
    %lt3A_129 = arith.constant 0 : i32
    %lt3A_130 = arith.cmpi slt, %select_n3A_122, %lt3A_129 : i32
    %ne3A_131 = vector.broadcast %lt3A_130 : i1 to vector<64x128xi1>
    %ne3A_132 = vector.broadcast %ne3A_131 : vector<64x128xi1> to vector<64x128xi1>
    %ne3A_133 = arith.xori %lt3A_128, %ne3A_132 : vector<64x128xi1>
    %and3A_134 = arith.andi %ne3A_133, %ne3A_125 : vector<64x128xi1>
    %add3A_135 = vector.broadcast %select_n3A_122 : i32 to vector<64x128xi32>
    %add3A_136 = arith.addi %rem3A_123, %add3A_135 : vector<64x128xi32>
    %select_n3A_137 = arith.select %and3A_134, %add3A_136, %rem3A_123 : vector<64x128xi1>, vector<64x128xi32>
    %ne3A_138 = arith.constant 2 : i32
    %ne3A_139 = vector.broadcast %ne3A_138 : i32 to vector<64x128xi32>
    %ne3A_140 = arith.cmpi ne, %select_n3A_137, %ne3A_139 : vector<64x128xi32>
    %lt3A_141 = arith.constant 47 : i32
    %lt3A_142 = vector.broadcast %lt3A_141 : i32 to vector<64x128xi32>
    %lt3A_143 = arith.cmpi slt, %iota3A_117, %lt3A_142 : vector<64x128xi32>
    %and3A_144 = arith.andi %ne3A_140, %lt3A_143 : vector<64x128xi1>
    %broadcast_in_dim3A_145 = vector.shape_cast %add3A_116 : vector<1x128xi32> to vector<1x128xi32>
    %broadcast_in_dim3A_146 = vector.broadcast %broadcast_in_dim3A_145 : vector<1x128xi32> to vector<64x128xi32>
    %eq3A_147 = arith.cmpi eq, %broadcast_in_dim3A_146, %iota3A_93 : vector<64x128xi32>
    %and3A_148 = arith.andi %eq3A_147, %and3A_144 : vector<64x128xi1>
    %convert_element_type3A_149 = arith.extui %and3A_148 : vector<64x128xi1> to vector<64x128xi32>
    %convert_element_type3A_150 = arith.sitofp %convert_element_type3A_149 : vector<64x128xi32> to vector<64x128xf32>
    %iota3A_151 = tpu.iota {dimensions = array<i32: 0>} : vector<128x16xi32>
    %iota3A_152 = tpu.iota {dimensions = array<i32: 1>} : vector<128x16xi32>
    %jit3A_153 = arith.constant 3 : i32
    %div3A = vector.broadcast %jit3A_153 : i32 to vector<128x16xi32>
    %div3A_154 = arith.divsi %iota3A_151, %div3A : vector<128x16xi32>
    %sign3A = arith.constant 0 : i32
    %sign3A_155 = vector.broadcast %sign3A : i32 to vector<128x16xi32>
    %sign3A_156 = arith.cmpi sgt, %iota3A_151, %sign3A_155 : vector<128x16xi32>
    %sign3A_157 = arith.extui %sign3A_156 : vector<128x16xi1> to vector<128x16xi32>
    %sign3A_158 = arith.constant 0 : i32
    %sign3A_159 = vector.broadcast %sign3A_158 : i32 to vector<128x16xi32>
    %sign3A_160 = arith.cmpi slt, %iota3A_151, %sign3A_159 : vector<128x16xi32>
    %sign3A_161 = arith.extui %sign3A_160 : vector<128x16xi1> to vector<128x16xi32>
    %sign3A_162 = arith.subi %sign3A_157, %sign3A_161 : vector<128x16xi32>
    %sign3A_163 = arith.constant 0 : i32
    %sign3A_164 = arith.cmpi sgt, %jit3A_153, %sign3A_163 : i32
    %sign3A_165 = arith.extui %sign3A_164 : i1 to i32
    %sign3A_166 = arith.constant 0 : i32
    %sign3A_167 = arith.cmpi slt, %jit3A_153, %sign3A_166 : i32
    %sign3A_168 = arith.extui %sign3A_167 : i1 to i32
    %sign3A_169 = arith.subi %sign3A_165, %sign3A_168 : i32
    %ne3A_170 = vector.broadcast %sign3A_169 : i32 to vector<128x16xi32>
    %ne3A_171 = arith.cmpi ne, %sign3A_162, %ne3A_170 : vector<128x16xi32>
    %rem3A_172 = vector.broadcast %jit3A_153 : i32 to vector<128x16xi32>
    %rem3A_173 = arith.remsi %iota3A_151, %rem3A_172 : vector<128x16xi32>
    %ne3A_174 = arith.constant 0 : i32
    %ne3A_175 = vector.broadcast %ne3A_174 : i32 to vector<128x16xi32>
    %ne3A_176 = arith.cmpi ne, %rem3A_173, %ne3A_175 : vector<128x16xi32>
    %and3A_177 = arith.andi %ne3A_171, %ne3A_176 : vector<128x16xi1>
    %sub3A = arith.constant 1 : i32
    %sub3A_178 = vector.broadcast %sub3A : i32 to vector<128x16xi32>
    %sub3A_179 = arith.subi %div3A_154, %sub3A_178 : vector<128x16xi32>
    %select_n3A_180 = arith.select %and3A_177, %sub3A_179, %div3A_154 : vector<128x16xi1>, vector<128x16xi32>
    %eq3A_181 = arith.cmpi eq, %select_n3A_180, %iota3A_152 : vector<128x16xi32>
    %lt3A_182 = arith.constant 48 : i32
    %lt3A_183 = vector.broadcast %lt3A_182 : i32 to vector<128x16xi32>
    %lt3A_184 = arith.cmpi slt, %iota3A_151, %lt3A_183 : vector<128x16xi32>
    %and3A_185 = arith.andi %eq3A_181, %lt3A_184 : vector<128x16xi1>
    %convert_element_type3A_186 = arith.extui %and3A_185 : vector<128x16xi1> to vector<128x16xi32>
    %convert_element_type3A_187 = arith.sitofp %convert_element_type3A_186 : vector<128x16xi32> to vector<128x16xf32>
    %add3A_188 = arith.addf %convert_element_type3A, %convert_element_type3A_150 : vector<64x128xf32>
    %dot_general3A = arith.constant dense<0.000000e+00> : vector<64x16xf32>
    %dot_general3A_189 = tpu.matmul %add3A_188, %convert_element_type3A_187, %dot_general3A {dimension_numbers = #tpu.dot_dimension_numbers<[1], [0], [0], [1], [0, 0, 1, 1], [], []>, transpose_lhs_hint = false} : vector<64x128xf32>, vector<128x16xf32>, vector<64x16xf32> -> vector<64x16xf32>
    %gt3A = arith.constant 0.000000e+00 : f32
    %gt3A_190 = vector.broadcast %gt3A : f32 to vector<64x16xf32>
    %gt3A_191 = arith.cmpf ogt, %dot_general3A_189, %gt3A_190 : vector<64x16xf32>
    %convert_element_type3A_192 = arith.extui %gt3A_191 : vector<64x16xi1> to vector<64x16xi32>
    %convert_element_type3A_193 = arith.sitofp %convert_element_type3A_192 : vector<64x16xi32> to vector<64x16xf32>
    %get3A_194 = arith.constant 0 : index
    %get3A_195 = arith.constant 0 : index
    %get3A_196 = vector.load %arg1[%get3A_194, %get3A_195] : memref<64x4096xi32, #tpu.memory_space<vmem>>, vector<64x4096xi32>
    %slice3A_197 = vector.extract_strided_slice %get3A_196 {offsets = [0, 1], sizes = [64, 4095], strides = [1, 1]} : vector<64x4096xi32> to vector<64x4095xi32>
    %slice3A_198 = vector.extract_strided_slice %get3A_196 {offsets = [0, 0], sizes = [64, 1], strides = [1, 1]} : vector<64x4096xi32> to vector<64x1xi32>
    %concatenate3A_199 = tpu.concatenate %slice3A_197, %slice3A_198 in 1 : vector<64x4095xi32>, vector<64x1xi32> -> vector<64x4096xi32>
    %mul3A_200 = arith.constant 8 : i32
    %mul3A_201 = vector.broadcast %mul3A_200 : i32 to vector<64x4096xi32>
    %mul3A_202 = arith.muli %get3A_196, %mul3A_201 : vector<64x4096xi32>
    %add3A_203 = arith.addi %mul3A_202, %concatenate3A_199 : vector<64x4096xi32>
    %iota3A_204 = tpu.iota {dimensions = array<i32: 1>} : vector<64x4096xi32>
    %eq3A_205 = arith.constant 4095 : i32
    %eq3A_206 = vector.broadcast %eq3A_205 : i32 to vector<64x4096xi32>
    %eq3A_207 = arith.cmpi eq, %iota3A_204, %eq3A_206 : vector<64x4096xi32>
    %slice3A_208 = vector.extract_strided_slice %add3A_203 {offsets = [0, 0], sizes = [64, 1], strides = [1, 1]} : vector<64x4096xi32> to vector<64x1xi32>
    %broadcast_in_dim3A_209 = vector.shape_cast %slice3A_208 : vector<64x1xi32> to vector<64x1xi32>
    %broadcast_in_dim3A_210 = vector.broadcast %broadcast_in_dim3A_209 : vector<64x1xi32> to vector<64x4096xi32>
    %select_n3A_211 = arith.select %eq3A_207, %broadcast_in_dim3A_210, %add3A_203 : vector<64x4096xi1>, vector<64x4096xi32>
    %and3A_212 = arith.constant 31 : i32
    %and3A_213 = vector.broadcast %and3A_212 : i32 to vector<64x4096xi32>
    %and3A_214 = arith.andi %select_n3A_211, %and3A_213 : vector<64x4096xi32>
    %shift_left3A_215 = arith.constant 1 : i32
    %shift_left3A_216 = vector.broadcast %shift_left3A_215 : i32 to vector<64x4096xi32>
    %shift_left3A_217 = arith.shli %shift_left3A_216, %and3A_214 : vector<64x4096xi32>
    %lt3A_218 = arith.constant 32 : i32
    %lt3A_219 = vector.broadcast %lt3A_218 : i32 to vector<64x4096xi32>
    %lt3A_220 = arith.cmpi slt, %select_n3A_211, %lt3A_219 : vector<64x4096xi32>
    %jit3A_221 = arith.constant 0 : i32
    %broadcast_in_dim3A_222 = vector.broadcast %jit3A_221 : i32 to vector<64x4096xi32>
    %select_n3A_223 = arith.select %lt3A_220, %shift_left3A_217, %broadcast_in_dim3A_222 : vector<64x4096xi1>, vector<64x4096xi32>
    %slice3A_224 = vector.extract_strided_slice %select_n3A_223 {offsets = [0, 0], sizes = [64, 2048], strides = [1, 1]} : vector<64x4096xi32> to vector<64x2048xi32>
    %slice3A_225 = vector.extract_strided_slice %select_n3A_223 {offsets = [0, 2048], sizes = [64, 2048], strides = [1, 1]} : vector<64x4096xi32> to vector<64x2048xi32>
    %or3A_226 = arith.ori %slice3A_224, %slice3A_225 : vector<64x2048xi32>
    %slice3A_227 = vector.extract_strided_slice %or3A_226 {offsets = [0, 0], sizes = [64, 1024], strides = [1, 1]} : vector<64x2048xi32> to vector<64x1024xi32>
    %slice3A_228 = vector.extract_strided_slice %or3A_226 {offsets = [0, 1024], sizes = [64, 1024], strides = [1, 1]} : vector<64x2048xi32> to vector<64x1024xi32>
    %or3A_229 = arith.ori %slice3A_227, %slice3A_228 : vector<64x1024xi32>
    %slice3A_230 = vector.extract_strided_slice %or3A_229 {offsets = [0, 0], sizes = [64, 512], strides = [1, 1]} : vector<64x1024xi32> to vector<64x512xi32>
    %slice3A_231 = vector.extract_strided_slice %or3A_229 {offsets = [0, 512], sizes = [64, 512], strides = [1, 1]} : vector<64x1024xi32> to vector<64x512xi32>
    %or3A_232 = arith.ori %slice3A_230, %slice3A_231 : vector<64x512xi32>
    %slice3A_233 = vector.extract_strided_slice %or3A_232 {offsets = [0, 0], sizes = [64, 256], strides = [1, 1]} : vector<64x512xi32> to vector<64x256xi32>
    %slice3A_234 = vector.extract_strided_slice %or3A_232 {offsets = [0, 256], sizes = [64, 256], strides = [1, 1]} : vector<64x512xi32> to vector<64x256xi32>
    %or3A_235 = arith.ori %slice3A_233, %slice3A_234 : vector<64x256xi32>
    %slice3A_236 = vector.extract_strided_slice %or3A_235 {offsets = [0, 0], sizes = [64, 128], strides = [1, 1]} : vector<64x256xi32> to vector<64x128xi32>
    %slice3A_237 = vector.extract_strided_slice %or3A_235 {offsets = [0, 128], sizes = [64, 128], strides = [1, 1]} : vector<64x256xi32> to vector<64x128xi32>
    %or3A_238 = arith.ori %slice3A_236, %slice3A_237 : vector<64x128xi32>
    %slice3A_239 = vector.extract_strided_slice %or3A_238 {offsets = [0, 0], sizes = [64, 64], strides = [1, 1]} : vector<64x128xi32> to vector<64x64xi32>
    %slice3A_240 = vector.extract_strided_slice %or3A_238 {offsets = [0, 64], sizes = [64, 64], strides = [1, 1]} : vector<64x128xi32> to vector<64x64xi32>
    %or3A_241 = arith.ori %slice3A_239, %slice3A_240 : vector<64x64xi32>
    %slice3A_242 = vector.extract_strided_slice %or3A_241 {offsets = [0, 0], sizes = [64, 32], strides = [1, 1]} : vector<64x64xi32> to vector<64x32xi32>
    %slice3A_243 = vector.extract_strided_slice %or3A_241 {offsets = [0, 32], sizes = [64, 32], strides = [1, 1]} : vector<64x64xi32> to vector<64x32xi32>
    %or3A_244 = arith.ori %slice3A_242, %slice3A_243 : vector<64x32xi32>
    %slice3A_245 = vector.extract_strided_slice %or3A_244 {offsets = [0, 0], sizes = [64, 16], strides = [1, 1]} : vector<64x32xi32> to vector<64x16xi32>
    %slice3A_246 = vector.extract_strided_slice %or3A_244 {offsets = [0, 16], sizes = [64, 16], strides = [1, 1]} : vector<64x32xi32> to vector<64x16xi32>
    %or3A_247 = arith.ori %slice3A_245, %slice3A_246 : vector<64x16xi32>
    %slice3A_248 = vector.extract_strided_slice %or3A_247 {offsets = [0, 0], sizes = [64, 8], strides = [1, 1]} : vector<64x16xi32> to vector<64x8xi32>
    %slice3A_249 = vector.extract_strided_slice %or3A_247 {offsets = [0, 8], sizes = [64, 8], strides = [1, 1]} : vector<64x16xi32> to vector<64x8xi32>
    %or3A_250 = arith.ori %slice3A_248, %slice3A_249 : vector<64x8xi32>
    %slice3A_251 = vector.extract_strided_slice %or3A_250 {offsets = [0, 0], sizes = [64, 4], strides = [1, 1]} : vector<64x8xi32> to vector<64x4xi32>
    %slice3A_252 = vector.extract_strided_slice %or3A_250 {offsets = [0, 4], sizes = [64, 4], strides = [1, 1]} : vector<64x8xi32> to vector<64x4xi32>
    %or3A_253 = arith.ori %slice3A_251, %slice3A_252 : vector<64x4xi32>
    %slice3A_254 = vector.extract_strided_slice %or3A_253 {offsets = [0, 0], sizes = [64, 2], strides = [1, 1]} : vector<64x4xi32> to vector<64x2xi32>
    %slice3A_255 = vector.extract_strided_slice %or3A_253 {offsets = [0, 2], sizes = [64, 2], strides = [1, 1]} : vector<64x4xi32> to vector<64x2xi32>
    %or3A_256 = arith.ori %slice3A_254, %slice3A_255 : vector<64x2xi32>
    %slice3A_257 = vector.extract_strided_slice %or3A_256 {offsets = [0, 0], sizes = [64, 1], strides = [1, 1]} : vector<64x2xi32> to vector<64x1xi32>
    %slice3A_258 = vector.extract_strided_slice %or3A_256 {offsets = [0, 1], sizes = [64, 1], strides = [1, 1]} : vector<64x2xi32> to vector<64x1xi32>
    %or3A_259 = arith.ori %slice3A_257, %slice3A_258 : vector<64x1xi32>
    %ge3A_260 = arith.constant 32 : i32
    %ge3A_261 = vector.broadcast %ge3A_260 : i32 to vector<64x4096xi32>
    %ge3A_262 = arith.cmpi sge, %select_n3A_211, %ge3A_261 : vector<64x4096xi32>
    %jit3A_263 = arith.constant 0 : i32
    %broadcast_in_dim3A_264 = vector.broadcast %jit3A_263 : i32 to vector<64x4096xi32>
    %select_n3A_265 = arith.select %ge3A_262, %shift_left3A_217, %broadcast_in_dim3A_264 : vector<64x4096xi1>, vector<64x4096xi32>
    %slice3A_266 = vector.extract_strided_slice %select_n3A_265 {offsets = [0, 0], sizes = [64, 2048], strides = [1, 1]} : vector<64x4096xi32> to vector<64x2048xi32>
    %slice3A_267 = vector.extract_strided_slice %select_n3A_265 {offsets = [0, 2048], sizes = [64, 2048], strides = [1, 1]} : vector<64x4096xi32> to vector<64x2048xi32>
    %or3A_268 = arith.ori %slice3A_266, %slice3A_267 : vector<64x2048xi32>
    %slice3A_269 = vector.extract_strided_slice %or3A_268 {offsets = [0, 0], sizes = [64, 1024], strides = [1, 1]} : vector<64x2048xi32> to vector<64x1024xi32>
    %slice3A_270 = vector.extract_strided_slice %or3A_268 {offsets = [0, 1024], sizes = [64, 1024], strides = [1, 1]} : vector<64x2048xi32> to vector<64x1024xi32>
    %or3A_271 = arith.ori %slice3A_269, %slice3A_270 : vector<64x1024xi32>
    %slice3A_272 = vector.extract_strided_slice %or3A_271 {offsets = [0, 0], sizes = [64, 512], strides = [1, 1]} : vector<64x1024xi32> to vector<64x512xi32>
    %slice3A_273 = vector.extract_strided_slice %or3A_271 {offsets = [0, 512], sizes = [64, 512], strides = [1, 1]} : vector<64x1024xi32> to vector<64x512xi32>
    %or3A_274 = arith.ori %slice3A_272, %slice3A_273 : vector<64x512xi32>
    %slice3A_275 = vector.extract_strided_slice %or3A_274 {offsets = [0, 0], sizes = [64, 256], strides = [1, 1]} : vector<64x512xi32> to vector<64x256xi32>
    %slice3A_276 = vector.extract_strided_slice %or3A_274 {offsets = [0, 256], sizes = [64, 256], strides = [1, 1]} : vector<64x512xi32> to vector<64x256xi32>
    %or3A_277 = arith.ori %slice3A_275, %slice3A_276 : vector<64x256xi32>
    %slice3A_278 = vector.extract_strided_slice %or3A_277 {offsets = [0, 0], sizes = [64, 128], strides = [1, 1]} : vector<64x256xi32> to vector<64x128xi32>
    %slice3A_279 = vector.extract_strided_slice %or3A_277 {offsets = [0, 128], sizes = [64, 128], strides = [1, 1]} : vector<64x256xi32> to vector<64x128xi32>
    %or3A_280 = arith.ori %slice3A_278, %slice3A_279 : vector<64x128xi32>
    %slice3A_281 = vector.extract_strided_slice %or3A_280 {offsets = [0, 0], sizes = [64, 64], strides = [1, 1]} : vector<64x128xi32> to vector<64x64xi32>
    %slice3A_282 = vector.extract_strided_slice %or3A_280 {offsets = [0, 64], sizes = [64, 64], strides = [1, 1]} : vector<64x128xi32> to vector<64x64xi32>
    %or3A_283 = arith.ori %slice3A_281, %slice3A_282 : vector<64x64xi32>
    %slice3A_284 = vector.extract_strided_slice %or3A_283 {offsets = [0, 0], sizes = [64, 32], strides = [1, 1]} : vector<64x64xi32> to vector<64x32xi32>
    %slice3A_285 = vector.extract_strided_slice %or3A_283 {offsets = [0, 32], sizes = [64, 32], strides = [1, 1]} : vector<64x64xi32> to vector<64x32xi32>
    %or3A_286 = arith.ori %slice3A_284, %slice3A_285 : vector<64x32xi32>
    %slice3A_287 = vector.extract_strided_slice %or3A_286 {offsets = [0, 0], sizes = [64, 16], strides = [1, 1]} : vector<64x32xi32> to vector<64x16xi32>
    %slice3A_288 = vector.extract_strided_slice %or3A_286 {offsets = [0, 16], sizes = [64, 16], strides = [1, 1]} : vector<64x32xi32> to vector<64x16xi32>
    %or3A_289 = arith.ori %slice3A_287, %slice3A_288 : vector<64x16xi32>
    %slice3A_290 = vector.extract_strided_slice %or3A_289 {offsets = [0, 0], sizes = [64, 8], strides = [1, 1]} : vector<64x16xi32> to vector<64x8xi32>
    %slice3A_291 = vector.extract_strided_slice %or3A_289 {offsets = [0, 8], sizes = [64, 8], strides = [1, 1]} : vector<64x16xi32> to vector<64x8xi32>
    %or3A_292 = arith.ori %slice3A_290, %slice3A_291 : vector<64x8xi32>
    %slice3A_293 = vector.extract_strided_slice %or3A_292 {offsets = [0, 0], sizes = [64, 4], strides = [1, 1]} : vector<64x8xi32> to vector<64x4xi32>
    %slice3A_294 = vector.extract_strided_slice %or3A_292 {offsets = [0, 4], sizes = [64, 4], strides = [1, 1]} : vector<64x8xi32> to vector<64x4xi32>
    %or3A_295 = arith.ori %slice3A_293, %slice3A_294 : vector<64x4xi32>
    %slice3A_296 = vector.extract_strided_slice %or3A_295 {offsets = [0, 0], sizes = [64, 2], strides = [1, 1]} : vector<64x4xi32> to vector<64x2xi32>
    %slice3A_297 = vector.extract_strided_slice %or3A_295 {offsets = [0, 2], sizes = [64, 2], strides = [1, 1]} : vector<64x4xi32> to vector<64x2xi32>
    %or3A_298 = arith.ori %slice3A_296, %slice3A_297 : vector<64x2xi32>
    %slice3A_299 = vector.extract_strided_slice %or3A_298 {offsets = [0, 0], sizes = [64, 1], strides = [1, 1]} : vector<64x2xi32> to vector<64x1xi32>
    %slice3A_300 = vector.extract_strided_slice %or3A_298 {offsets = [0, 1], sizes = [64, 1], strides = [1, 1]} : vector<64x2xi32> to vector<64x1xi32>
    %or3A_301 = arith.ori %slice3A_299, %slice3A_300 : vector<64x1xi32>
    %iota3A_302 = tpu.iota {dimensions = array<i32: 1>} : vector<64x64xi32>
    %lt3A_303 = arith.constant 32 : i32
    %lt3A_304 = vector.broadcast %lt3A_303 : i32 to vector<64x64xi32>
    %lt3A_305 = arith.cmpi slt, %iota3A_302, %lt3A_304 : vector<64x64xi32>
    %broadcast_in_dim3A_306 = vector.shape_cast %or3A_259 : vector<64x1xi32> to vector<64x1xi32>
    %broadcast_in_dim3A_307 = vector.broadcast %broadcast_in_dim3A_306 : vector<64x1xi32> to vector<64x64xi32>
    %broadcast_in_dim3A_308 = vector.shape_cast %or3A_301 : vector<64x1xi32> to vector<64x1xi32>
    %broadcast_in_dim3A_309 = vector.broadcast %broadcast_in_dim3A_308 : vector<64x1xi32> to vector<64x64xi32>
    %select_n3A_310 = arith.select %lt3A_305, %broadcast_in_dim3A_307, %broadcast_in_dim3A_309 : vector<64x64xi1>, vector<64x64xi32>
    %and3A_311 = arith.constant 31 : i32
    %and3A_312 = vector.broadcast %and3A_311 : i32 to vector<64x64xi32>
    %and3A_313 = arith.andi %iota3A_302, %and3A_312 : vector<64x64xi32>
    %shift_right_logical3A_314 = arith.shrui %select_n3A_310, %and3A_313 : vector<64x64xi32>
    %and3A_315 = arith.constant 1 : i32
    %and3A_316 = vector.broadcast %and3A_315 : i32 to vector<64x64xi32>
    %and3A_317 = arith.andi %shift_right_logical3A_314, %and3A_316 : vector<64x64xi32>
    %convert_element_type3A_318 = arith.sitofp %and3A_317 : vector<64x64xi32> to vector<64x64xf32>
    %broadcast_in_dim3A_319 = arith.constant 1.000000e+00 : f32
    %broadcast_in_dim3A_320 = vector.broadcast %broadcast_in_dim3A_319 : f32 to vector<64x1xf32>
    %dot_general3A_321 = arith.constant dense<0.000000e+00> : vector<16x1xf32>
    %dot_general3A_322 = tpu.matmul %convert_element_type3A_193, %broadcast_in_dim3A_320, %dot_general3A_321 {dimension_numbers = #tpu.dot_dimension_numbers<[0], [0], [1], [1], [0, 1, 1, 1], [], []>, transpose_lhs_hint = false} : vector<64x16xf32>, vector<64x1xf32>, vector<16x1xf32> -> vector<16x1xf32>
    %broadcast_in_dim3A_323 = arith.constant 1.000000e+00 : f32
    %broadcast_in_dim3A_324 = vector.broadcast %broadcast_in_dim3A_323 : f32 to vector<1x64xf32>
    %dot_general3A_325 = arith.constant dense<0.000000e+00> : vector<1x64xf32>
    %dot_general3A_326 = tpu.matmul %broadcast_in_dim3A_324, %convert_element_type3A_318, %dot_general3A_325 {dimension_numbers = #tpu.dot_dimension_numbers<[1], [1], [0], [0], [0, 0, 1, 0], [], []>, transpose_lhs_hint = false} : vector<1x64xf32>, vector<64x64xf32>, vector<1x64xf32> -> vector<1x64xf32>
    %dot_general3A_327 = arith.constant dense<0.000000e+00> : vector<16x64xf32>
    %dot_general3A_328 = tpu.matmul %convert_element_type3A_193, %convert_element_type3A_318, %dot_general3A_327 {dimension_numbers = #tpu.dot_dimension_numbers<[0], [1], [1], [0], [0, 1, 1, 0], [], []>, transpose_lhs_hint = false} : vector<64x16xf32>, vector<64x64xf32>, vector<16x64xf32> -> vector<16x64xf32>
    %mul3A_329 = arith.constant 3 : i32
    %mul3A_330 = vector.broadcast %mul3A_329 : i32 to vector<128x16xi32>
    %mul3A_331 = arith.muli %mul3A_330, %iota3A_152 : vector<128x16xi32>
    %add3A_332 = arith.constant 2 : i32
    %add3A_333 = vector.broadcast %add3A_332 : i32 to vector<128x16xi32>
    %add3A_334 = arith.addi %mul3A_331, %add3A_333 : vector<128x16xi32>
    %eq3A_335 = arith.cmpi eq, %iota3A_151, %add3A_334 : vector<128x16xi32>
    %lt3A_336 = arith.constant 48 : i32
    %lt3A_337 = vector.broadcast %lt3A_336 : i32 to vector<128x16xi32>
    %lt3A_338 = arith.cmpi slt, %iota3A_151, %lt3A_337 : vector<128x16xi32>
    %and3A_339 = arith.andi %eq3A_335, %lt3A_338 : vector<128x16xi1>
    %convert_element_type3A_340 = arith.extui %and3A_339 : vector<128x16xi1> to vector<128x16xi32>
    %convert_element_type3A_341 = arith.sitofp %convert_element_type3A_340 : vector<128x16xi32> to vector<128x16xf32>
    %convert_element_type3A_342 = arith.sitofp %slice3A_109 : vector<1x128xi32> to vector<1x128xf32>
    %dot_general3A_343 = arith.constant dense<0.000000e+00> : vector<16x1xf32>
    %dot_general3A_344 = tpu.matmul %convert_element_type3A_341, %convert_element_type3A_342, %dot_general3A_343 {dimension_numbers = #tpu.dot_dimension_numbers<[0], [1], [1], [0], [0, 1, 1, 0], [], []>, transpose_lhs_hint = false} : vector<128x16xf32>, vector<1x128xf32>, vector<16x1xf32> -> vector<16x1xf32>
    %iota3A_345 = tpu.iota {dimensions = array<i32: 0>} : vector<64x64xi32>
    %iota3A_346 = tpu.iota {dimensions = array<i32: 1>} : vector<64x64xi32>
    %eq3A_347 = arith.cmpi eq, %iota3A_345, %iota3A_346 : vector<64x64xi32>
    %convert_element_type3A_348 = arith.extui %eq3A_347 : vector<64x64xi1> to vector<64x64xi32>
    %convert_element_type3A_349 = arith.sitofp %convert_element_type3A_348 : vector<64x64xi32> to vector<64x64xf32>
    %slice3A_350 = vector.extract_strided_slice %get3A_196 {offsets = [0, 0], sizes = [64, 1], strides = [1, 1]} : vector<64x4096xi32> to vector<64x1xi32>
    %convert_element_type3A_351 = arith.sitofp %slice3A_350 : vector<64x1xi32> to vector<64x1xf32>
    %dot_general3A_352 = arith.constant dense<0.000000e+00> : vector<1x64xf32>
    %dot_general3A_353 = tpu.matmul %convert_element_type3A_351, %convert_element_type3A_349, %dot_general3A_352 {dimension_numbers = #tpu.dot_dimension_numbers<[0], [0], [1], [1], [0, 1, 1, 1], [], []>, transpose_lhs_hint = false} : vector<64x1xf32>, vector<64x64xf32>, vector<1x64xf32> -> vector<1x64xf32>
    %dot_general3A_354 = arith.constant dense<0.000000e+00> : vector<16x64xf32>
    %dot_general3A_355 = tpu.matmul %convert_element_type3A_193, %convert_element_type3A_349, %dot_general3A_354 {dimension_numbers = #tpu.dot_dimension_numbers<[0], [0], [1], [1], [0, 1, 1, 1], [], []>, transpose_lhs_hint = false} : vector<64x16xf32>, vector<64x64xf32>, vector<16x64xf32> -> vector<16x64xf32>
    %mul3A_356 = arith.constant 8.000000e+00 : f32
    %mul3A_357 = vector.broadcast %mul3A_356 : f32 to vector<16x1xf32>
    %mul3A_358 = arith.mulf %dot_general3A_344, %mul3A_357 : vector<16x1xf32>
    %add3A_359 = vector.broadcast %mul3A_358 : vector<16x1xf32> to vector<16x64xf32>
    %add3A_360 = vector.broadcast %dot_general3A_353 : vector<1x64xf32> to vector<16x64xf32>
    %add3A_361 = arith.addf %add3A_359, %add3A_360 : vector<16x64xf32>
    %convert_element_type3A_362 = arith.fptosi %add3A_361 : vector<16x64xf32> to vector<16x64xi32>
    %iota3A_363 = tpu.iota {dimensions = array<i32: 2>} : vector<16x64x64xi32>
    %broadcast_in_dim3A_364 = vector.shape_cast %convert_element_type3A_362 : vector<16x64xi32> to vector<16x64x1xi32>
    %eq3A_365 = vector.broadcast %broadcast_in_dim3A_364 : vector<16x64x1xi32> to vector<16x64x64xi32>
    %eq3A_366 = arith.cmpi eq, %eq3A_365, %iota3A_363 : vector<16x64x64xi32>
    %broadcast_in_dim3A_367 = vector.shape_cast %dot_general3A_355 : vector<16x64xf32> to vector<16x1x64xf32>
    %jit3A_368 = arith.constant 0.000000e+00 : f32
    %broadcast_in_dim3A_369 = vector.shape_cast %broadcast_in_dim3A_367 : vector<16x1x64xf32> to vector<16x1x64xf32>
    %broadcast_in_dim3A_370 = vector.broadcast %broadcast_in_dim3A_369 : vector<16x1x64xf32> to vector<16x64x64xf32>
    %broadcast_in_dim3A_371 = vector.broadcast %jit3A_368 : f32 to vector<16x64x64xf32>
    %select_n3A_372 = arith.select %eq3A_366, %broadcast_in_dim3A_370, %broadcast_in_dim3A_371 : vector<16x64x64xi1>, vector<16x64x64xf32>
    %reduce_sum3A = arith.constant dense<0.000000e+00> : vector<16x64xf32>
    %reduce_sum3A_373 = vector.multi_reduction <add>, %select_n3A_372, %reduce_sum3A [2] : vector<16x64x64xf32> to vector<16x64xf32>
    %broadcast_in_dim3A_374 = vector.shape_cast %convert_element_type3A_318 : vector<64x64xf32> to vector<1x64x64xf32>
    %jit3A_375 = arith.constant 0.000000e+00 : f32
    %broadcast_in_dim3A_376 = vector.shape_cast %broadcast_in_dim3A_374 : vector<1x64x64xf32> to vector<1x64x64xf32>
    %broadcast_in_dim3A_377 = vector.broadcast %broadcast_in_dim3A_376 : vector<1x64x64xf32> to vector<16x64x64xf32>
    %broadcast_in_dim3A_378 = vector.broadcast %jit3A_375 : f32 to vector<16x64x64xf32>
    %select_n3A_379 = arith.select %eq3A_366, %broadcast_in_dim3A_377, %broadcast_in_dim3A_378 : vector<16x64x64xi1>, vector<16x64x64xf32>
    %reduce_sum3A_380 = arith.constant dense<0.000000e+00> : vector<16x64xf32>
    %reduce_sum3A_381 = vector.multi_reduction <add>, %select_n3A_379, %reduce_sum3A_380 [2] : vector<16x64x64xf32> to vector<16x64xf32>
    %add3A_382 = arith.addf %reduce_sum3A_373, %reduce_sum3A_381 : vector<16x64xf32>
    %gt3A_383 = arith.constant 0.000000e+00 : f32
    %gt3A_384 = vector.broadcast %gt3A_383 : f32 to vector<16x64xf32>
    %gt3A_385 = arith.cmpf ogt, %add3A_382, %gt3A_384 : vector<16x64xf32>
    %convert_element_type3A_386 = arith.extui %gt3A_385 : vector<16x64xi1> to vector<16x64xi32>
    %convert_element_type3A_387 = arith.sitofp %convert_element_type3A_386 : vector<16x64xi32> to vector<16x64xf32>
    %add3A_388 = vector.broadcast %dot_general3A_322 : vector<16x1xf32> to vector<16x64xf32>
    %add3A_389 = vector.broadcast %dot_general3A_326 : vector<1x64xf32> to vector<16x64xf32>
    %add3A_390 = arith.addf %add3A_388, %add3A_389 : vector<16x64xf32>
    %sub3A_391 = arith.subf %add3A_390, %dot_general3A_328 : vector<16x64xf32>
    %sub3A_392 = arith.constant 1.000000e+00 : f32
    %sub3A_393 = vector.broadcast %sub3A_392 : f32 to vector<16x64xf32>
    %sub3A_394 = arith.subf %sub3A_393, %convert_element_type3A_387 : vector<16x64xf32>
    %add3A_395 = arith.addf %sub3A_391, %sub3A_394 : vector<16x64xf32>
    %min3A = vector.broadcast %dot_general3A_322 : vector<16x1xf32> to vector<16x64xf32>
    %min3A_396 = vector.broadcast %dot_general3A_326 : vector<1x64xf32> to vector<16x64xf32>
    %min3A_397 = arith.minimumf %min3A, %min3A_396 : vector<16x64xf32>
    %max3A = vector.broadcast %dot_general3A_322 : vector<16x1xf32> to vector<16x64xf32>
    %max3A_398 = vector.broadcast %dot_general3A_326 : vector<1x64xf32> to vector<16x64xf32>
    %max3A_399 = arith.maximumf %max3A, %max3A_398 : vector<16x64xf32>
    %sub3A_400 = arith.subf %add3A_395, %min3A_397 : vector<16x64xf32>
    %div3A_401 = arith.divf %sub3A_400, %max3A_399 : vector<16x64xf32>
    %swap3A = arith.constant 0 : index
    %swap3A_402 = arith.constant 0 : index
    %swap3A_403 = vector.load %arg2[%swap3A, %swap3A_402] : memref<16x64xf32, #tpu.memory_space<vmem>>, vector<16x64xf32>
    tpu.vector_store %arg2[%swap3A, %swap3A_402], %div3A_401 {strides = array<i32>} : memref<16x64xf32, #tpu.memory_space<vmem>>, vector<16x64xf32>,
    return
  }
}

</mosaic_0001>

<sc_bundles>
// kernel: kernel.5.cloned.1.call-start
scs
__scs_entry_jumppad:
0x0: {  	(pc) =	sbr.rel $0x88, $3  }
0x1: {  	(tag) =	ssettag $0x0;
	lr =	simm.s32 $0x1  }
0x2: {  	[smem:$0x3F9D] =	sst lr;
	_ =	strace $0xD0000000  }
0x3: {  	_ = 	snop  }
0x4: {  	_ = 	snop  }
0x5: {  	_ = 	snop  }
0x6: {  	_ = 	snop  }
0x7: {  	_ = 	snop  }
__scs_overlays_trampoline_lowered:
0x8: {  	[smem:$0x3FAC] =	sst s0  }
0x9: {  	[smem:$0x3FAD] =	sst s1  }
0xa: {  	[smem:$0x3FAE] =	sst s2  }
0xb: {  	[smem:$0x3FAF] =	sst s3  }
0xc: {  	[smem:$0x3FB0] =	sst s4  }
0xd: {  	[smem:$0x3FB1] =	sst s5  }
0xe: {  	[smem:$0x3FB2] =	sst s6  }
0xf: {  	[smem:$0x3FB3] =	sst s7  }
0x10: {  	[smem:$0x3FB4] =	sst s8  }
0x11: {  	[smem:$0x3FB5] =	sst s9;
	s0 =	simm.s32 @!p0 $0x0  }
0x12: {  	s1 =	sld [smem:$0x3F9B];
	s0 =	simm.s32 @p0 $0x1  }
0x13: {  	[smem:$0x3FB6] =	sst s0;
	s0 =	simm.s32 @!p1 $0x0  }
0x14: {  	s2 =	sld [smem:$0x3F9A];
	s0 =	simm.s32 @p1 $0x1  }
0x15: {  	[smem:$0x3FB7] =	sst s0;
	s0 =	simm.s32 @!p2 $0x0  }
0x16: {  	s3 =	sld [smem:$0x3FDB];
	s0 =	simm.s32 @p2 $0x1  }
0x17: {  	s4 =	simm.s32 $0x1BF5;
	[smem:$0x3FB9] =	sst s0  }
0x18: {  	s0 =	sld [smem:$0x3F9C];
	_ =	swait.ge [sflag:s4], $0x0  }
0x19: {  	s7 =	sld [smem:$0x3F9D]  }
0x1a: {  	s8 =	sadd.s32 $0xFFFFE003, lr  }
0x1b: {  	s9 =	sadd.s32 $0xFFFFFEF7, lr;
	s5 =	simm.s32 $0xFFFFFFFF;
	p2 =	slt.u32 s8, $0xFFFFF086  }
0x1c: {  	p1 =	slt.u32 s9, $0xF7A;
	s5 =	simm.s32 @!p2 $0x0  }
0x1d: {  	s5 =	simm.s32 @p1 $0x1;
	p0 =	seq.s32 s7, s2  }
0x1e: {  	s7 =	smul.u32 @!p0 $0xF7A, s2;
	p2 =	seq.s32 @!p0 s5, $0x0  }
0x1f: {  	s9 =	smul.u32 $0xF7A, s1;
	s8 =	simm.s32 @!p0 $0x1BF5;
	p2 =	por !p2, p0  }
0x20: {  	[sflag:s8] =	ssyncset.s32 @!p0 $0xFFFFF086;
	s6 =	sadd.s32 @!p0 s3, s7;
	s7 =	simm.s32 @!p0 $0x108  }
0x21: {  	s3 =	sadd.s32 s3, s9;
	s6 =	sadd.s32 @!p0 $0x88, s6;
	s7 =	simm.s32 @p2 $0x1082  }
0x22: {  	[simem:s7], [sflag:s8] =	dma.local @!p0 [hbm:s6], $0xF7A  }
0x23: {  	s9 =	sor.u32 $0xD0000000, s2;
	s6 =	simm.s32 $0x108;
	_ =	swait.ge @!p0 [sflag:s8], $0x0  }
0x24: {  	s3 =	sadd.s32 $0x88, s3;
	s6 =	simm.s32 @!p1 $0x1082;
	[sflag:s4] =	ssyncset.s32 $0xFFFFF086  }
0x25: {  	[simem:s6], [sflag:s4] =	dma.local [hbm:s3], $0xF7A  }
0x26: {  	[smem:$0x3F9D] =	sst s1;
	(tag) =	ssettag s2;
	_ =	strace s9  }
0x27: {  	s1 =	sld [smem:$0x3FAD]  }
0x28: {  	s2 =	sld [smem:$0x3FAE]  }
0x29: {  	s4 =	sld [smem:$0x3FB0]  }
0x2a: {  	p0 =	seq.s32 s5, $0x0;
	s5 =	sld [smem:$0x3FB1]  }
0x2b: {  	s6 =	sld [smem:$0x3FB2]  }
0x2c: {  	s7 =	sld [smem:$0x3FB3]  }
0x2d: {  	s3 =	simm.s32 $0x108;
	s8 =	sld [smem:$0x3FB4]  }
0x2e: {  	s3 =	simm.s32 @!p0 $0x1082;
	s9 =	sld [smem:$0x3FB5]  }
0x2f: {  	lr =	sadd.s32 s0, s3;
	s0 =	sld [smem:$0x3FAC]  }
0x30: {  	s3 =	sld [smem:$0x3FAF]  }
0x31: {  	[smem:$0x3FB8] =	sst s10  }
0x32: {  	s10 =	sld [smem:$0x3FB6];
	_ =	sdelay $0x3  }
0x33: {  	p0 =	seq.s32 s10, $0x1;
	s10 =	sld [smem:$0x3FB8];
	_ =	sdelay $0x3  }
0x34: {  	[smem:$0x3FB8] =	sst s10  }
0x35: {  	s10 =	sld [smem:$0x3FB7];
	_ =	sdelay $0x3  }
0x36: {  	p1 =	seq.s32 s10, $0x1;
	s10 =	sld [smem:$0x3FB8];
	_ =	sdelay $0x3  }
0x37: {  	[smem:$0x3FB8] =	sst s10  }
0x38: {  	s10 =	sld [smem:$0x3FB9]  }
0x39: {  	_ = 	snop;
	(pc) =	sbr.ind lr, $3  }
0x3a: {  	_ = 	snop  }
0x3b: {  	_ = 	snop  }
0x3c: {  	p2 =	seq.s32 s10, $0x1;
	s10 =	sld [smem:$0x3FB8]  }
0x3d: {  	_ =	shalt  }
0x3e: {  	_ =	shalt  }
0x3f: {  	_ =	shalt  }
0x40: {  	_ =	shalt  }
0x41: {  	_ =	shalt  }
0x42: {  	_ =	shalt  }
0x43: {  	_ =	shalt  }
0x44: {  	_ =	shalt  }
0x45: {  	_ =	shalt  }
0x46: {  	_ =	shalt  }
0x47: {  	_ =	shalt  }
0x48: {  	_ =	shalt  }
0x49: {  	_ =	shalt  }
0x4a: {  	_ =	shalt  }
0x4b: {  	_ =	shalt  }
0x4c: {  	_ =	shalt  }
0x4d: {  	_ =	shalt  }
0x4e: {  	_ =	shalt  }
0x4f: {  	_ =	shalt  }
0x50: {  	_ =	shalt  }
0x51: {  	_ =	shalt  }
0x52: {  	_ =	shalt  }
0x53: {  	_ =	shalt  }
0x54: {  	_ =	shalt  }
0x55: {  	_ =	shalt  }
0x56: {  	_ =	shalt  }
0x57: {  	_ =	shalt  }
0x58: {  	_ =	shalt  }
0x59: {  	_ =	shalt  }
0x5a: {  	_ =	shalt  }
0x5b: {  	_ =	shalt  }
0x5c: {  	_ =	shalt  }
0x5d: {  	_ =	shalt  }
0x5e: {  	_ =	shalt  }
0x5f: {  	_ =	shalt  }
0x60: {  	_ =	shalt  }
0x61: {  	_ =	shalt  }
0x62: {  	_ =	shalt  }
0x63: {  	_ =	shalt  }
0x64: {  	_ =	shalt  }
0x65: {  	_ =	shalt  }
0x66: {  	_ =	shalt  }
0x67: {  	_ =	shalt  }
0x68: {  	_ =	shalt  }
0x69: {  	_ =	shalt  }
0x6a: {  	_ =	shalt  }
0x6b: {  	_ =	shalt  }
0x6c: {  	_ =	shalt  }
0x6d: {  	_ =	shalt  }
0x6e: {  	_ =	shalt  }
0x6f: {  	_ =	shalt  }
0x70: {  	_ =	shalt  }
0x71: {  	_ =	shalt  }
0x72: {  	_ =	shalt  }
0x73: {  	_ =	shalt  }
0x74: {  	_ =	shalt  }
0x75: {  	_ =	shalt  }
0x76: {  	_ =	shalt  }
0x77: {  	_ =	shalt  }
0x78: {  	_ =	shalt  }
0x79: {  	_ =	shalt  }
0x7a: {  	_ =	shalt  }
0x7b: {  	_ =	shalt  }
0x7c: {  	_ =	shalt  }
0x7d: {  	_ =	shalt  }
0x7e: {  	_ =	shalt  }
0x7f: {  	_ =	shalt  }
0x80: {  	_ =	shalt  }
0x81: {  	_ =	shalt  }
0x82: {  	_ =	shalt  }
0x83: {  	_ =	shalt  }
0x84: {  	_ =	shalt  }
0x85: {  	_ =	shalt  }
0x86: {  	_ =	shalt  }
0x87: {  	_ =	shalt  }
.Lfunc_end0:
.L_simem_size_0:
called_computation_lowered:
.L_overlay_start_0:
0x88: {  	s2 =	sld [smem:$0x3FD9]  }
0x89: {  	s3 =	sld [smem:$0x3FFE];
	_ =	sdelay $0x1  }
0x8a: {  	s1 =	srdreg.scid  }
0x8b: {  	s0 =	sand.u32 $0x1, s1  }
0x8c: {  	s17 =	sshll.u32 s0, $0xA;
	s2 =	sadd.s32 s3, s2  }
0x8d: {  	s2 =	sadd.s32 s2, s17  }
0x8e: {  	[smem:$0x3FC4] =	sst s2  }
0x8f: {  	_ = 	snop  }
0x90: {  	s2 =	sld [smem:$0x3FC8];
	(tm) =	ssettm $0x1  }
0x91: {  	s18 =	sld [smem:$0x3FFB];
	_ =	sdelay $0x3  }
0x92: {  	_ =	strace s18  }
0x93: {  	s3 =	sld [smem:$0x3FFC];
	_ =	sdelay $0x3  }
0x94: {  	_ =	strace s3  }
0x95: {  	s3 =	sld [smem:$0x3FFD];
	_ =	sdelay $0x3  }
0x96: {  	_ =	strace s3  }
0x97: {  	_ =	strace $0x8FFFFFFF  }
0x98: {  	s19 =	sld [smem:$0x3FDB];
	_ =	sdelay $0x1  }
0x99: {  	s4 =	simm.s32 $_scs_section_size  }
0x9a: {  	s5 =	simm.s32 $_size__tile_overlayer_lowered;
	s6 =	simm.s32 $_tile_overlayer_lowered  }
0x9b: {  	s22 =	simm.s32 $0x1BFF;
	s21 =	sshll.u32 s6, $0x1;
	s3 =	sadd.s32 s4, s19  }
0x9c: {  	s7 =	simm.s32 $0x0;
	s20 =	sshll.u32 s5, $0x1;
	s5 =	sadd.s32 s21, s3  }
0x9d: {  	[timem:s7], [sflag:s22] =	dma.local [hbm:s5], s20  }
0x9e: {  	_ =	swait.ge [sflag:s22], s20  }
0x9f: {  	s4 =	ssub.s32 $0x0, s20;
	[sflag:s22] =	ssyncset.done $0x0  }
0xa0: {  	[sflag:s22] =	ssyncadd.s32 s4;
	_ =	sdelay $0x1  }
0xa1: {  	s23 =	simm.s32 $0x1B8B  }
0xa2: {  	_ =	swait.ge [sflag:s23], $0x1  }
0xa3: {  	[sflag:s23] =	ssyncset.done $0x0  }
0xa4: {  	s25 =	simm.s32 $0x1B8E;
	s24 =	sld [smem:$0x3FFE];
	[sflag:s23] =	ssyncadd.s32 $0xFFFFFFFF  }
0xa5: {  	s26 =	simm.s32 $execute0_lowered;
	[smem:$0x3FD2] =	sst s25  }
0xa6: {  	s5 =	sshll.u32 s26, $0x1;
	_ =	strace $0x80000046;
	[dreg:$0x1] =	wrdreg $0xFFFFFFFF  }
0xa7: {  	s28 =	simm.s32 $_size_execute0_lowered;
	s3 =	sadd.s32 s3, s5;
	[dreg:$0x0] =	wrdreg $0x0  }
0xa8: {  	s5 =	sshll.u32 s28, $0x1;
	[dreg:$0x2] =	wrdreg s3  }
0xa9: {  	[dreg:$0x3] =	wrdreg s5  }
0xaa: {  	[dreg:$0x4] =	wrdreg $0xC0  }
0xab: {  	_ =	task [dreg:s7], $0x5FFFF  }
0xac: {  	[dreg:$0x1] =	wrdreg $0xFFFFFFFF  }
0xad: {  	[dreg:$0x0] =	wrdreg $0x60  }
0xae: {  	[dreg:$0x2] =	wrdreg s24  }
0xaf: {  	[dreg:$0x3] =	wrdreg s2  }
0xb0: {  	[dreg:$0x4] =	wrdreg $0x9  }
0xb1: {  	_ =	task.clear_ibuf [dreg:s7], $0x5FFFF;
	_ =	strace $0x90000046  }
0xb2: {  	s29 =	simm.s32 $0x9;
	_ =	strace $0x80000048  }
0xb3: {  	_ =	swait.ge [sflag:s29], $0x1  }
0xb4: {  	[sflag:s29] =	ssyncadd.s32 $0xFFFFFFFF  }
0xb5: {  	_ =	strace $0x90000048  }
0xb6: {  	_ =	sfence  }
0xb7: {  	s30 =	sld [smem:$0x0];
	_ =	sdelay $0x2  }
0xb8: {  	s31 =	sshll.u32 s1, $0xD;
	s1 =	sshrl.u32 s1, $0x2  }
0xb9: {  	s3 =	sand.u32 $0x4000, s31;
	s1 =	sadd.s32 s1, s30  }
0xba: {  	s0 =	sor.u32 s3, s0;
	s1 =	sshll.u32 s1, $0x11  }
0xbb: {  	s0 =	sor.u32 s1, s0  }
0xbc: {  	s0 =	sadd.s32 $0x8F2B, s0  }
0xbd: {  	[sflag:s0] =	ssyncadd.remote.s32 $0x1  }
0xbe: {  	_ =	sfence.sel $0xFFFF  }
0xbf: {  	[dreg:$0x0] =	wrdreg $0xFFFFFFFF;
	(pc) =	sbr.abs _section_cstart, $3  }
0xc0: {  	[dreg:$0x1] =	wrdreg $0xFFFFFFFF  }
0xc1: {  	_ =	task.clear_ibuf [dreg:s7], $0x2FFFF;
	_ =	strace $0x9FFFFFFF  }
0xc2: {  	(tm) =	ssettm $0x7FFFFFFF  }
0xc3: {  	_ =	shalt  }
tec
execute0_lowered:
.L_overlay_start_1:
0x0: {  	(tag) =	ssettag $0x1  }
0x1: {  	s1 =	srdreg.scid  }
0x2: {  	s8 =	rddreg [dreg:$0x0];
	s0 =	stileid.u32  }
0x3: {  	s3 =	rddreg [dreg:$0x1];
	s2 =	simm.s32 $0x0;
	s6 =	sand.u32 $0x1, s1  }
0x4: {  	s4 =	sshll.u32 s0, $0x8;
	s1 =	rddreg [dreg:$0x2];
	s5 =	sshll.u32 s6, $0x7  }
0x5: {  	s7 =	simm.s32 $0x1;
	[smem:$0x7FF] =	sst s2;
	s9 =	sor.u32 s5, s4  }
0x6: {  	_ =	strace $0x80000047;
	s10 =	ssub.s32 $0x2, s6;
	s4 =	sshrl.u32 s9, $0x3  }
0x7: {  	s6 =	simm.s32 $0x80;
	s4 =	sadd.s32 s3, s4;
	s3 =	simm.s32 $0x2  }
0x8: {  	[tilespmem:s2], [sflag:$0x2] =	stream.linear.gather [hbm4b:s4+s2], $0x80, $0x38;
	[tilespmem:$0x4080] =	vst v63  }
0x9: {  	s5 =	sadd.s32 $0xC00, s8;
	s11 =	sshrl.u32 s10, $0x1;
	_ =	swait.ge [sflag:s3], $0x80  }
0xa: {  	s9 =	sshll.u32 s9, $0x4;
	s31 =	ssub.s32 s10, s11;
	[sflag:s3] =	ssyncset.done $0x0  }
0xb: {  	s8 =	sadd.s32 s9, s8;
	s9 =	smax.u32 s31, $0x1;
	[sflag:s3] =	ssyncadd.s32 $0xFFFFFF80  }
0xc: {  	[tilespmem:s6], [sflag:$0x1] =	stream.indirect.gather [hbm4b:s5+s6], $0x80, s2, s6, $0xb8;
	[tilespmem:$0x4080] =	vst v63  }
0xd: {  	p0 =	sne.s32 s9, $0x1;
	_ =	swait.ge [sflag:s7], $0x4000  }
.Ltmp0:
0xe: {  	[sflag:s7] =	ssyncset.done $0x0;
	(pc) =	sbr.rel @!p0 .LBB2_2-.Ltmp0, $4  }
0xf: {  	s8 =	sadd.s32 $0x10C00, s8;
	[sflag:s7] =	ssyncadd.s32 $0xFFFFC000  }
0x10: {  	[hbm4b:s8+s2] =	stream.linear.scatter [tilespmem:s6], [sflag:$0x2], $0x4000, $0x38;
	[tilespmem:$0x4080] =	vst v63  }
0x11: {  	_ =	swait.ge [sflag:s3], $0x4000  }
0x12: {  	s9 =	sadd.s32 $0xFFFFFFFF, s9;
	[sflag:s3] =	ssyncset.done $0x0  }
.LBB2_1:
0x13: {  	p0 =	sne.s32 s9, $0x1;
	s9 =	sadd.s32 $0xFFFFFFFF, s9;
	[sflag:s3] =	ssyncadd.s32 $0xFFFFC000  }
0x14: {  	[tilespmem:s2], [sflag:$0x2] =	stream.linear.gather [hbm4b:s4+s2], $0x80, $0x38;
	[tilespmem:$0x4080] =	vst v63  }
0x15: {  	_ =	swait.ge [sflag:s3], $0x80  }
0x16: {  	[sflag:s3] =	ssyncset.done $0x0  }
0x17: {  	[sflag:s3] =	ssyncadd.s32 $0xFFFFFF80  }
0x18: {  	[tilespmem:s6], [sflag:$0x1] =	stream.indirect.gather [hbm4b:s5+s6], $0x80, s2, s6, $0xb8;
	[tilespmem:$0x4080] =	vst v63  }
0x19: {  	_ =	swait.ge [sflag:s7], $0x4000  }
.Ltmp1:
0x1a: {  	[sflag:s7] =	ssyncset.done $0x0;
	(pc) =	sbr.rel @p0 .LBB2_1-.Ltmp1, $4  }
0x1b: {  	[sflag:s7] =	ssyncadd.s32 $0xFFFFC000  }
0x1c: {  	[hbm4b:s8+s2] =	stream.linear.scatter [tilespmem:s6], [sflag:$0x2], $0x4000, $0x38;
	[tilespmem:$0x4080] =	vst v63  }
0x1d: {  	_ =	swait.ge [sflag:s3], $0x4000  }
0x1e: {  	[sflag:s3] =	ssyncset.done $0x0  }
.LBB2_2:
0x1f: {  	[sflag:s3] =	ssyncadd.s32 $0xFFFFC000  }
0x20: {  	_ =	sfence.sel $0x180000  }
0x21: {  	[bflag:$0x0] =	sbarrier.arrive $0xFFFF  }
0x22: {  	p0 =	sne.s32 s0, $0x0;
	_ =	strace $0x90000047  }
0x23: {  	s0 =	sadd.s32 @!p0 $0x100000, s1;
	[bflag:$0x2] =	sbarrier.arrive $0xFFFF  }
0x24: {  	[sflag:s0] =	ssyncadd.tile.s32 @!p0 $0x1;
	_ =	shalt  }
.Lfunc_end2:
_tile_overlayer_lowered:
.L_overlay_start_2:
0x25: {  	(tag) =	ssettag $0x2  }
0x26: {  	s0 =	rddreg [dreg:$0x0];
	s2 =	stileid.u32  }
0x27: {  	s1 =	rddreg [dreg:$0x1];
	p0 =	sne.s32 s2, $0x0  }
0x28: {  	s3 =	rddreg [dreg:$0x2];
	[bflag:$0x3] =	sbarrier.arrive $0xFFFF;
	s2 =	simm.s32 @!p0 $0x1C02  }
0x29: {  	[timem:s3], [sflag:s2] =	dma.local @!p0 [hbm:s0], s1  }
0x2a: {  	s0 =	simm.s32 @!p0 $0x2  }
0x2b: {  	_ =	swait.ge @!p0 [sflag:s0], s1  }
0x2c: {  	s1 =	ssub.s32 @!p0 $0x0, s1;
	[sflag:s0] =	ssyncset.done @!p0 $0x0  }
0x2d: {  	[sflag:s0] =	ssyncadd.s32 @!p0 s1  }
0x2e: {  	[bflag:$0x3] =	sbarrier.arrive $0xFFFF  }
0x2f: {  	_ =	shalt  }

</sc_bundles>
